<compile_context>
chip_gen: v7x
topology: tpu7x:2x2x1
jax: 0.10.2.dev20260603
libtpu: 0.0.44.dev20260713+nightly
codegen_flags: <defaults>
</compile_context>

<pallas_src>
import functools

import jax
import jax.numpy as jnp
from jax import lax
from jax.experimental import pallas as pl
from jax.experimental.pallas import tpu as pltpu
from jax.experimental.pallas import tpu_sc as plsc

N = 50000
E = 800000
D_IN = 128
H = 64
HF = H // 2
NLAYERS = 3
EPS = 1e-5

NC = 2
NS = 16
NPAD = 50048
ROWS_PER_SUB = NPAD // NS
EDGES_PER_SUB = E // NS
CHUNK = 800
NFULL = EDGES_PER_SUB // CHUNK
TAIL = EDGES_PER_SUB - NFULL * CHUNK

_MESH = plsc.VectorSubcoreMesh(core_axis_name="c", subcore_axis_name="s")

BS = 1000
GRID = (N // BS,)



@functools.partial(
    pl.kernel,
    out_type=jax.ShapeDtypeStruct((NC, NPAD, HF), jnp.float32),
    mesh=_MESH,
    compiler_params=pltpu.CompilerParams(use_tc_tiling_on_sc=False,
                                         internal_scratch_in_bytes=0),
    scratch_types=[
        pltpu.VMEM((CHUNK,), jnp.int32),
        pltpu.VMEM((CHUNK,), jnp.int32),
        pltpu.VMEM((CHUNK, HF), jnp.float32),
        pltpu.VMEM_SHARED((NPAD, HF), jnp.float32),
        pltpu.SemaphoreType.DMA,
    ],
)
def _seg_sum(g_hbm, src_hbm, dst_hbm, zeros_hbm, out_hbm,
             src_v, dst_v, rows_v, accum, sem):
    c = lax.axis_index("c")
    s = lax.axis_index("s")
    row0 = s * ROWS_PER_SUB
    pltpu.sync_copy(zeros_hbm, accum.at[pl.ds(row0, ROWS_PER_SUB)])
    plsc.subcore_barrier()
    base = pl.multiple_of(s * EDGES_PER_SUB, 8)
    tab = g_hbm.at[c]

    def edge_block(off, cnt):
        sv = src_v.at[pl.ds(0, cnt)]
        dv = dst_v.at[pl.ds(0, cnt)]
        rv = rows_v.at[pl.ds(0, cnt)]
        pltpu.sync_copy(src_hbm.at[pl.ds(off, cnt)], sv)
        pltpu.sync_copy(dst_hbm.at[pl.ds(off, cnt)], dv)
        pltpu.async_copy(tab.at[sv], rv, sem).wait()
        pltpu.sync_copy(rv, accum.at[dv], add=True)

    @pl.loop(0, NFULL)
    def _(k):
        edge_block(base + k * CHUNK, CHUNK)

    edge_block(base + NFULL * CHUNK, TAIL)

    plsc.subcore_barrier()
    pltpu.sync_copy(accum.at[pl.ds(row0, ROWS_PER_SUB)],
                    out_hbm.at[c].at[pl.ds(row0, ROWS_PER_SUB)])



def _prologue_body(x_ref, w_ref, b_ref, dp_ref, h_ref, dinv_ref):
    h = jnp.dot(x_ref[...], w_ref[...], preferred_element_type=jnp.float32)
    h_ref[...] = jnp.maximum(h + b_ref[...], 0.0)
    deg = dp_ref[0, :, 0:1] + 1.0
    dinv_ref[...] = lax.rsqrt(deg)


def _prologue(x, w_in, b_in, degc):
    return pl.pallas_call(
        _prologue_body,
        grid=GRID,
        in_specs=[
            pl.BlockSpec((BS, D_IN), lambda i: (i, 0)),
            pl.BlockSpec((D_IN, H), lambda i: (0, 0)),
            pl.BlockSpec((H,), lambda i: (0,)),
            pl.BlockSpec((1, BS, HF), lambda i: (0, i, 0)),
        ],
        out_specs=[
            pl.BlockSpec((BS, H), lambda i: (i, 0)),
            pl.BlockSpec((BS, 1), lambda i: (i, 0)),
        ],
        out_shape=[
            jax.ShapeDtypeStruct((N, H), jnp.float32),
            jax.ShapeDtypeStruct((N, 1), jnp.float32),
        ],
    )(x, w_in, b_in, degc)


def _gmm_body(h_ref, w_ref, dinv_ref, g_ref):
    g = jnp.dot(h_ref[...], w_ref[...], preferred_element_type=jnp.float32)
    g = g * dinv_ref[...]
    g_ref[0] = g[:, :HF]
    g_ref[1] = g[:, HF:]


def _gmm(h, w, dinv):
    return pl.pallas_call(
        _gmm_body,
        grid=GRID,
        in_specs=[
            pl.BlockSpec((BS, H), lambda i: (i, 0)),
            pl.BlockSpec((H, H), lambda i: (0, 0)),
            pl.BlockSpec((BS, 1), lambda i: (i, 0)),
        ],
        out_specs=pl.BlockSpec((NC, BS, HF), lambda i: (0, i, 0)),
        out_shape=jax.ShapeDtypeStruct((NC, N, HF), jnp.float32),
    )(h, w, dinv)


def _norm_body(agg_ref, g_ref, dinv_ref, h_ref, gam_ref, bet_ref, cb_ref, o_ref):
    full = jnp.concatenate(
        [agg_ref[0] + g_ref[0], agg_ref[1] + g_ref[1]], axis=1)
    pre = dinv_ref[...] * full + cb_ref[...]
    mu = jnp.mean(pre, axis=1, keepdims=True)
    var = jnp.mean((pre - mu) ** 2, axis=1, keepdims=True)
    y = (pre - mu) * lax.rsqrt(var + EPS) * gam_ref[...] + bet_ref[...]
    o_ref[...] = jnp.maximum(y, 0.0) + h_ref[...]


def _norm(agg, g, dinv, h, gam, bet, cb):
    return pl.pallas_call(
        _norm_body,
        grid=GRID,
        in_specs=[
            pl.BlockSpec((NC, BS, HF), lambda i: (0, i, 0)),
            pl.BlockSpec((NC, BS, HF), lambda i: (0, i, 0)),
            pl.BlockSpec((BS, 1), lambda i: (i, 0)),
            pl.BlockSpec((BS, H), lambda i: (i, 0)),
            pl.BlockSpec((H,), lambda i: (0,)),
            pl.BlockSpec((H,), lambda i: (0,)),
            pl.BlockSpec((H,), lambda i: (0,)),
        ],
        out_specs=pl.BlockSpec((BS, H), lambda i: (i, 0)),
        out_shape=jax.ShapeDtypeStruct((N, H), jnp.float32),
    )(agg, g, dinv, h, gam, bet, cb)


def _out_body(h_ref, w_ref, b_ref, o_ref):
    o_ref[...] = jnp.sum(h_ref[...] * w_ref[...], axis=1, keepdims=True) + b_ref[0]


def _epilogue(h, w_row, b_out):
    return pl.pallas_call(
        _out_body,
        grid=GRID,
        in_specs=[
            pl.BlockSpec((BS, H), lambda i: (i, 0)),
            pl.BlockSpec((1, H), lambda i: (0, 0)),
            pl.BlockSpec((1,), lambda i: (0,)),
        ],
        out_specs=pl.BlockSpec((BS, 1), lambda i: (i, 0)),
        out_shape=jax.ShapeDtypeStruct((N, 1), jnp.float32),
    )(h, w_row, b_out)



def kernel(x, edge_index, W_in, b_in, convW, convB, lnG, lnB, W_out, b_out):
    src = edge_index[0]
    dst = edge_index[1]
    zeros32 = jnp.zeros((ROWS_PER_SUB, HF), jnp.float32)
    ones_tab = jnp.ones((NC, N, HF), jnp.float32)
    zidx = jnp.zeros((E,), jnp.int32)

    degc = _seg_sum(ones_tab, zidx, dst, zeros32)
    h, dinv = _prologue(x, W_in, b_in, degc)
    for l in range(NLAYERS):
        g = _gmm(h, convW[l], dinv)
        agg = _seg_sum(g, src, dst, zeros32)
        h = _norm(agg, g, dinv, h, lnG[l], lnB[l], convB[l])
    return _epilogue(h, W_out.reshape(1, H), b_out).reshape(-1)

# --- scband reference (transcript-rebuilt; emitter-appended) ---
"""Pipeline reference for scband-improved-pressure-gnn-27762668601577 (READ-ONLY COPY).

The authoritative reference and input builder live on the scoring server;
editing this copy changes nothing except your own understanding.
"""

import jax, jax.numpy as jnp
import numpy as np

N = 50000
E = 800000
IN_DIM = 128
H = 64
L = 3
EPS = 1e-5


def setup_inputs(seed: int = 0) -> dict:
    key = jax.random.key(seed)
    ks = jax.random.split(key, 12)
    x = jax.random.normal(ks[0], (N, IN_DIM), dtype=jnp.float32)
    edge_index = jax.random.randint(ks[1], (2, E), 0, N, dtype=jnp.int32)
    W_in = jax.random.normal(ks[2], (IN_DIM, H), dtype=jnp.float32) * (1.0 / np.sqrt(IN_DIM))
    b_in = jnp.zeros((H,), dtype=jnp.float32)
    convW = jax.random.normal(ks[3], (L, H, H), dtype=jnp.float32) * (1.0 / np.sqrt(H))
    convB = jnp.zeros((L, H), dtype=jnp.float32)
    lnG = jnp.ones((L, H), dtype=jnp.float32)
    lnB = jnp.zeros((L, H), dtype=jnp.float32)
    W_out = jax.random.normal(ks[4], (H, 1), dtype=jnp.float32) * (1.0 / np.sqrt(H))
    b_out = jnp.zeros((1,), dtype=jnp.float32)
    return {"x": x, "edge_index": edge_index, "W_in": W_in, "b_in": b_in,
            "convW": convW, "convB": convB, "lnG": lnG, "lnB": lnB,
            "W_out": W_out, "b_out": b_out}


def _gcn_conv(x, src, dst, W, b):
    # GCNConv: add self-loops, symmetric normalization, aggregate, bias
    n = x.shape[0]
    loop = jnp.arange(n, dtype=src.dtype)
    s = jnp.concatenate([src, loop])
    d = jnp.concatenate([dst, loop])
    deg = jax.ops.segment_sum(jnp.ones_like(s, dtype=x.dtype), d, num_segments=n)
    dinv = jnp.where(deg > 0, jax.lax.rsqrt(jnp.maximum(deg, 1e-12)), 0.0)
    norm = dinv[s] * dinv[d]
    h = x @ W
    msg = h[s] * norm[:, None]
    out = jax.ops.segment_sum(msg, d, num_segments=n)
    return out + b


def _layer_norm(x, g, b):
    mu = jnp.mean(x, axis=-1, keepdims=True)
    var = jnp.mean((x - mu) ** 2, axis=-1, keepdims=True)
    return (x - mu) * jax.lax.rsqrt(var + EPS) * g + b


def reference(x, edge_index, W_in, b_in, convW, convB, lnG, lnB, W_out, b_out):
    src = edge_index[0]
    dst = edge_index[1]
    h = jax.nn.relu(x @ W_in + b_in)
    for i in range(L):
        residual = h
        h = _gcn_conv(h, src, dst, convW[i], convB[i])
        h = _layer_norm(h, lnG[i], lnB[i])
        h = jax.nn.relu(h)
        # dropout is identity in eval mode
        h = h + residual
    out = h @ W_out + b_out
    return out.reshape(-1)

if __name__ == "__main__":
    import jax
    _d = setup_inputs()
    print(jax.jit(kernel)(*tuple(_d.values())))

</pallas_src>

<mosaic_0001>
#map = affine_map<(d0, d1) -> (0, 0, 0)>
#map1 = affine_map<(d0, d1) -> (0)>
#map2 = affine_map<(d0, d1) -> (0, 0)>
module attributes {stable_mosaic.version = 14 : i64} {
  func.func @_seg_sum(%arg0: i32, %arg1: i32, %arg2: memref<2x50000x32xf32, #tpu.memory_space<hbm>>, %arg3: memref<800000xi32, #tpu.memory_space<hbm>>, %arg4: memref<800000xi32, #tpu.memory_space<hbm>>, %arg5: memref<3128x32xf32, #tpu.memory_space<hbm>>, %arg6: memref<2x50048x32xf32, #tpu.memory_space<hbm>>, %arg7: memref<800xi32, #tpu.memory_space<vmem>>, %arg8: memref<800xi32, #tpu.memory_space<vmem>>, %arg9: memref<800x32xf32, #tpu.memory_space<vmem>>, %arg10: memref<50048x32xf32, #tpu.memory_space<vmem_shared>>, %arg11: memref<!tpu.dma_semaphore, #tpu.memory_space<semaphore_mem>>) attributes {dimension_semantics = [#tpu.dimension_semantics<core_parallel>, #tpu.dimension_semantics<subcore_parallel>], iteration_bounds = array<i64: 2, 16>, scalar_prefetch = 0 : i64, scratch_operands = 5 : i64, tpu.core_type = #tpu.core_type<sc_vector_subcore>, window_params = [{transform_indices = #map}, {transform_indices = #map1}, {transform_indices = #map1}, {transform_indices = #map2}, {transform_indices = #map}]} {
    %mul3A = arith.constant 3128 : i32
    %mul3A_0 = arith.muli %arg1, %mul3A : i32
    "tpu.region"() ({
      %run_scoped3A = tpu.sem_alloc : memref<!tpu.dma_semaphore, #tpu.memory_space<semaphore_mem>>
      %dma_start3A_31 = arith.constant 0 : i32
      %dma_start3A_32 = tpu.memref_slice %arg10[%mul3A_0, %dma_start3A_31] : memref<50048x32xf32, #tpu.memory_space<vmem_shared>> -> memref<3128x32xf32, #tpu.memory_space<vmem_shared>>
      tpu.enqueue_dma source(%arg5 : memref<3128x32xf32, #tpu.memory_space<hbm>>) target(%dma_start3A_32 : memref<3128x32xf32, #tpu.memory_space<vmem_shared>>) target_semaphore(%run_scoped3A : memref<!tpu.dma_semaphore, #tpu.memory_space<semaphore_mem>>)
      %dma_wait3A_33 = arith.constant 0 : i32
      %dma_wait3A_34 = tpu.memref_slice %arg10[%mul3A_0, %dma_wait3A_33] : memref<50048x32xf32, #tpu.memory_space<vmem_shared>> -> memref<3128x32xf32, #tpu.memory_space<vmem_shared>>
      tpu.wait_dma2 semaphore(%run_scoped3A : memref<!tpu.dma_semaphore, #tpu.memory_space<semaphore_mem>>) src(%arg5 : memref<3128x32xf32, #tpu.memory_space<hbm>>) dst(%dma_wait3A_34 : memref<3128x32xf32, #tpu.memory_space<vmem_shared>>)
      tpu.yield
    }) : () -> ()
    %barrier3A = arith.constant 0 : index
    tpu.barrier barrier_id(%barrier3A)
    %mul3A_1 = arith.constant 50000 : i32
    %mul3A_2 = arith.muli %arg1, %mul3A_1 : i32
    %multiple_of3A = tpu.assume_multiple %mul3A_2, 8 : i32
    %scan3A = arith.constant 0 : i32
    %scan3A_3 = arith.constant 62 : i32
    %scan3A_4 = arith.addi %scan3A, %scan3A_3 : i32
    %scan3A_5 = arith.constant 1 : i32
    scf.for %scan3A_31 = %scan3A to %scan3A_4 step %scan3A_5  : i32 {
      %mul3A_32 = arith.constant 1 : i32
      %mul3A_33 = arith.muli %scan3A_31, %mul3A_32 : i32
      %add3A_34 = arith.constant 0 : i32
      %add3A_35 = arith.addi %add3A_34, %mul3A_33 : i32
      %mul3A_36 = arith.constant 800 : i32
      %mul3A_37 = arith.muli %add3A_35, %mul3A_36 : i32
      %add3A_38 = arith.addi %multiple_of3A, %mul3A_37 : i32
      "tpu.region"() ({
        %run_scoped3A = tpu.sem_alloc : memref<!tpu.dma_semaphore, #tpu.memory_space<semaphore_mem>>
        %dma_start3A_63 = arith.constant 0 : i32
        %dma_start3A_64 = tpu.memref_slice %arg7[%dma_start3A_63] : memref<800xi32, #tpu.memory_space<vmem>> -> memref<800xi32, #tpu.memory_space<vmem>>
        %dma_start3A_65 = tpu.memref_slice %arg3[%add3A_38] : memref<800000xi32, #tpu.memory_space<hbm>> -> memref<800xi32, #tpu.memory_space<hbm>>
        %dma_start3A_66 = arith.constant 0 : i32
        %dma_start3A_67 = tpu.memref_slice %arg7[%dma_start3A_66] : memref<800xi32, #tpu.memory_space<vmem>> -> memref<800xi32, #tpu.memory_space<vmem>>
        %dma_start3A_68 = tpu.memref_slice %arg3[%add3A_38] : memref<800000xi32, #tpu.memory_space<hbm>> -> memref<800xi32, #tpu.memory_space<hbm>>
        tpu.enqueue_dma source(%dma_start3A_68 : memref<800xi32, #tpu.memory_space<hbm>>) target(%dma_start3A_67 : memref<800xi32, #tpu.memory_space<vmem>>) target_semaphore(%run_scoped3A : memref<!tpu.dma_semaphore, #tpu.memory_space<semaphore_mem>>)
        %dma_wait3A_69 = arith.constant 0 : i32
        %dma_wait3A_70 = tpu.memref_slice %arg7[%dma_wait3A_69] : memref<800xi32, #tpu.memory_space<vmem>> -> memref<800xi32, #tpu.memory_space<vmem>>
        %dma_wait3A_71 = tpu.memref_slice %arg3[%add3A_38] : memref<800000xi32, #tpu.memory_space<hbm>> -> memref<800xi32, #tpu.memory_space<hbm>>
        %dma_wait3A_72 = arith.constant 0 : i32
        %dma_wait3A_73 = tpu.memref_slice %arg7[%dma_wait3A_72] : memref<800xi32, #tpu.memory_space<vmem>> -> memref<800xi32, #tpu.memory_space<vmem>>
        %dma_wait3A_74 = tpu.memref_slice %arg3[%add3A_38] : memref<800000xi32, #tpu.memory_space<hbm>> -> memref<800xi32, #tpu.memory_space<hbm>>
        tpu.wait_dma2 semaphore(%run_scoped3A : memref<!tpu.dma_semaphore, #tpu.memory_space<semaphore_mem>>) src(%dma_wait3A_74 : memref<800xi32, #tpu.memory_space<hbm>>) dst(%dma_wait3A_73 : memref<800xi32, #tpu.memory_space<vmem>>)
        tpu.yield
      }) : () -> ()
      "tpu.region"() ({
        %run_scoped3A = tpu.sem_alloc : memref<!tpu.dma_semaphore, #tpu.memory_space<semaphore_mem>>
        %dma_start3A_63 = arith.constant 0 : i32
        %dma_start3A_64 = tpu.memref_slice %arg8[%dma_start3A_63] : memref<800xi32, #tpu.memory_space<vmem>> -> memref<800xi32, #tpu.memory_space<vmem>>
        %dma_start3A_65 = tpu.memref_slice %arg4[%add3A_38] : memref<800000xi32, #tpu.memory_space<hbm>> -> memref<800xi32, #tpu.memory_space<hbm>>
        %dma_start3A_66 = arith.constant 0 : i32
        %dma_start3A_67 = tpu.memref_slice %arg8[%dma_start3A_66] : memref<800xi32, #tpu.memory_space<vmem>> -> memref<800xi32, #tpu.memory_space<vmem>>
        %dma_start3A_68 = tpu.memref_slice %arg4[%add3A_38] : memref<800000xi32, #tpu.memory_space<hbm>> -> memref<800xi32, #tpu.memory_space<hbm>>
        tpu.enqueue_dma source(%dma_start3A_68 : memref<800xi32, #tpu.memory_space<hbm>>) target(%dma_start3A_67 : memref<800xi32, #tpu.memory_space<vmem>>) target_semaphore(%run_scoped3A : memref<!tpu.dma_semaphore, #tpu.memory_space<semaphore_mem>>)
        %dma_wait3A_69 = arith.constant 0 : i32
        %dma_wait3A_70 = tpu.memref_slice %arg8[%dma_wait3A_69] : memref<800xi32, #tpu.memory_space<vmem>> -> memref<800xi32, #tpu.memory_space<vmem>>
        %dma_wait3A_71 = tpu.memref_slice %arg4[%add3A_38] : memref<800000xi32, #tpu.memory_space<hbm>> -> memref<800xi32, #tpu.memory_space<hbm>>
        %dma_wait3A_72 = arith.constant 0 : i32
        %dma_wait3A_73 = tpu.memref_slice %arg8[%dma_wait3A_72] : memref<800xi32, #tpu.memory_space<vmem>> -> memref<800xi32, #tpu.memory_space<vmem>>
        %dma_wait3A_74 = tpu.memref_slice %arg4[%add3A_38] : memref<800000xi32, #tpu.memory_space<hbm>> -> memref<800xi32, #tpu.memory_space<hbm>>
        tpu.wait_dma2 semaphore(%run_scoped3A : memref<!tpu.dma_semaphore, #tpu.memory_space<semaphore_mem>>) src(%dma_wait3A_74 : memref<800xi32, #tpu.memory_space<hbm>>) dst(%dma_wait3A_73 : memref<800xi32, #tpu.memory_space<vmem>>)
        tpu.yield
      }) : () -> ()
      %dma_start3A_39 = arith.constant 0 : i32
      %dma_start3A_40 = arith.constant 0 : i32
      %dma_start3A_41 = tpu.memref_slice %arg9[%dma_start3A_39, %dma_start3A_40] : memref<800x32xf32, #tpu.memory_space<vmem>> -> memref<800x32xf32, #tpu.memory_space<vmem>>
      %dma_start3A_42 = arith.constant 0 : i32
      %dma_start3A_43 = tpu.memref_slice %arg7[%dma_start3A_42] : memref<800xi32, #tpu.memory_space<vmem>> -> memref<800xi32, #tpu.memory_space<vmem>>
      %dma_start3A_44 = arith.constant 0 : i32
      %dma_start3A_45 = arith.constant 0 : i32
      %dma_start3A_46 = tpu.memref_slice %arg2[%arg0, %dma_start3A_44, %dma_start3A_45] : memref<2x50000x32xf32, #tpu.memory_space<hbm>> -> memref<1x50000x32xf32, #tpu.memory_space<hbm>>
      %dma_start3A_47 = tpu.memref_squeeze %dma_start3A_46 : memref<1x50000x32xf32, #tpu.memory_space<hbm>> -> memref<50000x32xf32, #tpu.memory_space<hbm>>
      %dma_start3A_48 = arith.constant 0 : i32
      %dma_start3A_49 = arith.constant 0 : i32
      %dma_start3A_50 = tpu.memref_slice %dma_start3A_47[%dma_start3A_48, %dma_start3A_49] : memref<50000x32xf32, #tpu.memory_space<hbm>> -> memref<50000x32xf32, #tpu.memory_space<hbm>>
      tpu.enqueue_indirect_dma source(%dma_start3A_50 : memref<50000x32xf32, #tpu.memory_space<hbm>>) target(%dma_start3A_41 : memref<800x32xf32, #tpu.memory_space<vmem>>) offsets(%dma_start3A_43 : memref<800xi32, #tpu.memory_space<vmem>>) semaphore(%arg11 : memref<!tpu.dma_semaphore, #tpu.memory_space<semaphore_mem>>)
      %dma_wait3A_51 = arith.constant 0 : i32
      %dma_wait3A_52 = arith.constant 0 : i32
      %dma_wait3A_53 = tpu.memref_slice %arg9[%dma_wait3A_51, %dma_wait3A_52] : memref<800x32xf32, #tpu.memory_space<vmem>> -> memref<800x32xf32, #tpu.memory_space<vmem>>
      %dma_wait3A_54 = arith.constant 0 : i32
      %dma_wait3A_55 = tpu.memref_slice %arg7[%dma_wait3A_54] : memref<800xi32, #tpu.memory_space<vmem>> -> memref<800xi32, #tpu.memory_space<vmem>>
      %dma_wait3A_56 = arith.constant 0 : i32
      %dma_wait3A_57 = arith.constant 0 : i32
      %dma_wait3A_58 = tpu.memref_slice %arg2[%arg0, %dma_wait3A_56, %dma_wait3A_57] : memref<2x50000x32xf32, #tpu.memory_space<hbm>> -> memref<1x50000x32xf32, #tpu.memory_space<hbm>>
      %dma_wait3A_59 = tpu.memref_squeeze %dma_wait3A_58 : memref<1x50000x32xf32, #tpu.memory_space<hbm>> -> memref<50000x32xf32, #tpu.memory_space<hbm>>
      %dma_wait3A_60 = arith.constant 0 : i32
      %dma_wait3A_61 = arith.constant 0 : i32
      %dma_wait3A_62 = tpu.memref_slice %dma_wait3A_59[%dma_wait3A_60, %dma_wait3A_61] : memref<50000x32xf32, #tpu.memory_space<hbm>> -> memref<50000x32xf32, #tpu.memory_space<hbm>>
      tpu.wait_indirect_dma semaphore(%arg11 : memref<!tpu.dma_semaphore, #tpu.memory_space<semaphore_mem>>) src(%dma_wait3A_62 : memref<50000x32xf32, #tpu.memory_space<hbm>>) dst(%dma_wait3A_53 : memref<800x32xf32, #tpu.memory_space<vmem>>)
      "tpu.region"() ({
        %run_scoped3A = tpu.sem_alloc : memref<!tpu.dma_semaphore, #tpu.memory_space<semaphore_mem>>
        %dma_start3A_63 = arith.constant 0 : i32
        %dma_start3A_64 = arith.constant 0 : i32
        %dma_start3A_65 = tpu.memref_slice %arg9[%dma_start3A_63, %dma_start3A_64] : memref<800x32xf32, #tpu.memory_space<vmem>> -> memref<800x32xf32, #tpu.memory_space<vmem>>
        %dma_start3A_66 = arith.constant 0 : i32
        %dma_start3A_67 = tpu.memref_slice %arg8[%dma_start3A_66] : memref<800xi32, #tpu.memory_space<vmem>> -> memref<800xi32, #tpu.memory_space<vmem>>
        %dma_start3A_68 = arith.constant 0 : i32
        %dma_start3A_69 = arith.constant 0 : i32
        %dma_start3A_70 = tpu.memref_slice %arg10[%dma_start3A_68, %dma_start3A_69] : memref<50048x32xf32, #tpu.memory_space<vmem_shared>> -> memref<50048x32xf32, #tpu.memory_space<vmem_shared>>
        tpu.enqueue_indirect_dma source(%dma_start3A_65 : memref<800x32xf32, #tpu.memory_space<vmem>>) target(%dma_start3A_70 : memref<50048x32xf32, #tpu.memory_space<vmem_shared>>) offsets(%dma_start3A_67 : memref<800xi32, #tpu.memory_space<vmem>>) semaphore(%run_scoped3A : memref<!tpu.dma_semaphore, #tpu.memory_space<semaphore_mem>>) {add = true}
        %dma_wait3A_71 = arith.constant 0 : i32
        %dma_wait3A_72 = arith.constant 0 : i32
        %dma_wait3A_73 = tpu.memref_slice %arg9[%dma_wait3A_71, %dma_wait3A_72] : memref<800x32xf32, #tpu.memory_space<vmem>> -> memref<800x32xf32, #tpu.memory_space<vmem>>
        %dma_wait3A_74 = arith.constant 0 : i32
        %dma_wait3A_75 = tpu.memref_slice %arg8[%dma_wait3A_74] : memref<800xi32, #tpu.memory_space<vmem>> -> memref<800xi32, #tpu.memory_space<vmem>>
        %dma_wait3A_76 = arith.constant 0 : i32
        %dma_wait3A_77 = arith.constant 0 : i32
        %dma_wait3A_78 = tpu.memref_slice %arg10[%dma_wait3A_76, %dma_wait3A_77] : memref<50048x32xf32, #tpu.memory_space<vmem_shared>> -> memref<50048x32xf32, #tpu.memory_space<vmem_shared>>
        tpu.wait_indirect_dma semaphore(%run_scoped3A : memref<!tpu.dma_semaphore, #tpu.memory_space<semaphore_mem>>) src(%dma_wait3A_73 : memref<800x32xf32, #tpu.memory_space<vmem>>) dst(%dma_wait3A_78 : memref<50048x32xf32, #tpu.memory_space<vmem_shared>>)
        tpu.yield
      }) : () -> ()
    }
    %scan3A_6 = arith.constant 62 : i32
    %add3A = arith.constant 49600 : i32
    %add3A_7 = arith.addi %multiple_of3A, %add3A : i32
    "tpu.region"() ({
      %run_scoped3A = tpu.sem_alloc : memref<!tpu.dma_semaphore, #tpu.memory_space<semaphore_mem>>
      %dma_start3A_31 = arith.constant 0 : i32
      %dma_start3A_32 = tpu.memref_slice %arg7[%dma_start3A_31] : memref<800xi32, #tpu.memory_space<vmem>> -> memref<400xi32, #tpu.memory_space<vmem>>
      %dma_start3A_33 = tpu.memref_slice %arg3[%add3A_7] : memref<800000xi32, #tpu.memory_space<hbm>> -> memref<400xi32, #tpu.memory_space<hbm>>
      %dma_start3A_34 = arith.constant 0 : i32
      %dma_start3A_35 = tpu.memref_slice %arg7[%dma_start3A_34] : memref<800xi32, #tpu.memory_space<vmem>> -> memref<400xi32, #tpu.memory_space<vmem>>
      %dma_start3A_36 = tpu.memref_slice %arg3[%add3A_7] : memref<800000xi32, #tpu.memory_space<hbm>> -> memref<400xi32, #tpu.memory_space<hbm>>
      tpu.enqueue_dma source(%dma_start3A_36 : memref<400xi32, #tpu.memory_space<hbm>>) target(%dma_start3A_35 : memref<400xi32, #tpu.memory_space<vmem>>) target_semaphore(%run_scoped3A : memref<!tpu.dma_semaphore, #tpu.memory_space<semaphore_mem>>)
      %dma_wait3A_37 = arith.constant 0 : i32
      %dma_wait3A_38 = tpu.memref_slice %arg7[%dma_wait3A_37] : memref<800xi32, #tpu.memory_space<vmem>> -> memref<400xi32, #tpu.memory_space<vmem>>
      %dma_wait3A_39 = tpu.memref_slice %arg3[%add3A_7] : memref<800000xi32, #tpu.memory_space<hbm>> -> memref<400xi32, #tpu.memory_space<hbm>>
      %dma_wait3A_40 = arith.constant 0 : i32
      %dma_wait3A_41 = tpu.memref_slice %arg7[%dma_wait3A_40] : memref<800xi32, #tpu.memory_space<vmem>> -> memref<400xi32, #tpu.memory_space<vmem>>
      %dma_wait3A_42 = tpu.memref_slice %arg3[%add3A_7] : memref<800000xi32, #tpu.memory_space<hbm>> -> memref<400xi32, #tpu.memory_space<hbm>>
      tpu.wait_dma2 semaphore(%run_scoped3A : memref<!tpu.dma_semaphore, #tpu.memory_space<semaphore_mem>>) src(%dma_wait3A_42 : memref<400xi32, #tpu.memory_space<hbm>>) dst(%dma_wait3A_41 : memref<400xi32, #tpu.memory_space<vmem>>)
      tpu.yield
    }) : () -> ()
    "tpu.region"() ({
      %run_scoped3A = tpu.sem_alloc : memref<!tpu.dma_semaphore, #tpu.memory_space<semaphore_mem>>
      %dma_start3A_31 = arith.constant 0 : i32
      %dma_start3A_32 = tpu.memref_slice %arg8[%dma_start3A_31] : memref<800xi32, #tpu.memory_space<vmem>> -> memref<400xi32, #tpu.memory_space<vmem>>
      %dma_start3A_33 = tpu.memref_slice %arg4[%add3A_7] : memref<800000xi32, #tpu.memory_space<hbm>> -> memref<400xi32, #tpu.memory_space<hbm>>
      %dma_start3A_34 = arith.constant 0 : i32
      %dma_start3A_35 = tpu.memref_slice %arg8[%dma_start3A_34] : memref<800xi32, #tpu.memory_space<vmem>> -> memref<400xi32, #tpu.memory_space<vmem>>
      %dma_start3A_36 = tpu.memref_slice %arg4[%add3A_7] : memref<800000xi32, #tpu.memory_space<hbm>> -> memref<400xi32, #tpu.memory_space<hbm>>
      tpu.enqueue_dma source(%dma_start3A_36 : memref<400xi32, #tpu.memory_space<hbm>>) target(%dma_start3A_35 : memref<400xi32, #tpu.memory_space<vmem>>) target_semaphore(%run_scoped3A : memref<!tpu.dma_semaphore, #tpu.memory_space<semaphore_mem>>)
      %dma_wait3A_37 = arith.constant 0 : i32
      %dma_wait3A_38 = tpu.memref_slice %arg8[%dma_wait3A_37] : memref<800xi32, #tpu.memory_space<vmem>> -> memref<400xi32, #tpu.memory_space<vmem>>
      %dma_wait3A_39 = tpu.memref_slice %arg4[%add3A_7] : memref<800000xi32, #tpu.memory_space<hbm>> -> memref<400xi32, #tpu.memory_space<hbm>>
      %dma_wait3A_40 = arith.constant 0 : i32
      %dma_wait3A_41 = tpu.memref_slice %arg8[%dma_wait3A_40] : memref<800xi32, #tpu.memory_space<vmem>> -> memref<400xi32, #tpu.memory_space<vmem>>
      %dma_wait3A_42 = tpu.memref_slice %arg4[%add3A_7] : memref<800000xi32, #tpu.memory_space<hbm>> -> memref<400xi32, #tpu.memory_space<hbm>>
      tpu.wait_dma2 semaphore(%run_scoped3A : memref<!tpu.dma_semaphore, #tpu.memory_space<semaphore_mem>>) src(%dma_wait3A_42 : memref<400xi32, #tpu.memory_space<hbm>>) dst(%dma_wait3A_41 : memref<400xi32, #tpu.memory_space<vmem>>)
      tpu.yield
    }) : () -> ()
    %dma_start3A = arith.constant 0 : i32
    %dma_start3A_8 = arith.constant 0 : i32
    %dma_start3A_9 = tpu.memref_slice %arg9[%dma_start3A, %dma_start3A_8] : memref<800x32xf32, #tpu.memory_space<vmem>> -> memref<400x32xf32, #tpu.memory_space<vmem>>
    %dma_start3A_10 = arith.constant 0 : i32
    %dma_start3A_11 = tpu.memref_slice %arg7[%dma_start3A_10] : memref<800xi32, #tpu.memory_space<vmem>> -> memref<400xi32, #tpu.memory_space<vmem>>
    %dma_start3A_12 = arith.constant 0 : i32
    %dma_start3A_13 = arith.constant 0 : i32
    %dma_start3A_14 = tpu.memref_slice %arg2[%arg0, %dma_start3A_12, %dma_start3A_13] : memref<2x50000x32xf32, #tpu.memory_space<hbm>> -> memref<1x50000x32xf32, #tpu.memory_space<hbm>>
    %dma_start3A_15 = tpu.memref_squeeze %dma_start3A_14 : memref<1x50000x32xf32, #tpu.memory_space<hbm>> -> memref<50000x32xf32, #tpu.memory_space<hbm>>
    %dma_start3A_16 = arith.constant 0 : i32
    %dma_start3A_17 = arith.constant 0 : i32
    %dma_start3A_18 = tpu.memref_slice %dma_start3A_15[%dma_start3A_16, %dma_start3A_17] : memref<50000x32xf32, #tpu.memory_space<hbm>> -> memref<50000x32xf32, #tpu.memory_space<hbm>>
    tpu.enqueue_indirect_dma source(%dma_start3A_18 : memref<50000x32xf32, #tpu.memory_space<hbm>>) target(%dma_start3A_9 : memref<400x32xf32, #tpu.memory_space<vmem>>) offsets(%dma_start3A_11 : memref<400xi32, #tpu.memory_space<vmem>>) semaphore(%arg11 : memref<!tpu.dma_semaphore, #tpu.memory_space<semaphore_mem>>)
    %dma_wait3A = arith.constant 0 : i32
    %dma_wait3A_19 = arith.constant 0 : i32
    %dma_wait3A_20 = tpu.memref_slice %arg9[%dma_wait3A, %dma_wait3A_19] : memref<800x32xf32, #tpu.memory_space<vmem>> -> memref<400x32xf32, #tpu.memory_space<vmem>>
    %dma_wait3A_21 = arith.constant 0 : i32
    %dma_wait3A_22 = tpu.memref_slice %arg7[%dma_wait3A_21] : memref<800xi32, #tpu.memory_space<vmem>> -> memref<400xi32, #tpu.memory_space<vmem>>
    %dma_wait3A_23 = arith.constant 0 : i32
    %dma_wait3A_24 = arith.constant 0 : i32
    %dma_wait3A_25 = tpu.memref_slice %arg2[%arg0, %dma_wait3A_23, %dma_wait3A_24] : memref<2x50000x32xf32, #tpu.memory_space<hbm>> -> memref<1x50000x32xf32, #tpu.memory_space<hbm>>
    %dma_wait3A_26 = tpu.memref_squeeze %dma_wait3A_25 : memref<1x50000x32xf32, #tpu.memory_space<hbm>> -> memref<50000x32xf32, #tpu.memory_space<hbm>>
    %dma_wait3A_27 = arith.constant 0 : i32
    %dma_wait3A_28 = arith.constant 0 : i32
    %dma_wait3A_29 = tpu.memref_slice %dma_wait3A_26[%dma_wait3A_27, %dma_wait3A_28] : memref<50000x32xf32, #tpu.memory_space<hbm>> -> memref<50000x32xf32, #tpu.memory_space<hbm>>
    tpu.wait_indirect_dma semaphore(%arg11 : memref<!tpu.dma_semaphore, #tpu.memory_space<semaphore_mem>>) src(%dma_wait3A_29 : memref<50000x32xf32, #tpu.memory_space<hbm>>) dst(%dma_wait3A_20 : memref<400x32xf32, #tpu.memory_space<vmem>>)
    "tpu.region"() ({
      %run_scoped3A = tpu.sem_alloc : memref<!tpu.dma_semaphore, #tpu.memory_space<semaphore_mem>>
      %dma_start3A_31 = arith.constant 0 : i32
      %dma_start3A_32 = arith.constant 0 : i32
      %dma_start3A_33 = tpu.memref_slice %arg9[%dma_start3A_31, %dma_start3A_32] : memref<800x32xf32, #tpu.memory_space<vmem>> -> memref<400x32xf32, #tpu.memory_space<vmem>>
      %dma_start3A_34 = arith.constant 0 : i32
      %dma_start3A_35 = tpu.memref_slice %arg8[%dma_start3A_34] : memref<800xi32, #tpu.memory_space<vmem>> -> memref<400xi32, #tpu.memory_space<vmem>>
      %dma_start3A_36 = arith.constant 0 : i32
      %dma_start3A_37 = arith.constant 0 : i32
      %dma_start3A_38 = tpu.memref_slice %arg10[%dma_start3A_36, %dma_start3A_37] : memref<50048x32xf32, #tpu.memory_space<vmem_shared>> -> memref<50048x32xf32, #tpu.memory_space<vmem_shared>>
      tpu.enqueue_indirect_dma source(%dma_start3A_33 : memref<400x32xf32, #tpu.memory_space<vmem>>) target(%dma_start3A_38 : memref<50048x32xf32, #tpu.memory_space<vmem_shared>>) offsets(%dma_start3A_35 : memref<400xi32, #tpu.memory_space<vmem>>) semaphore(%run_scoped3A : memref<!tpu.dma_semaphore, #tpu.memory_space<semaphore_mem>>) {add = true}
      %dma_wait3A_39 = arith.constant 0 : i32
      %dma_wait3A_40 = arith.constant 0 : i32
      %dma_wait3A_41 = tpu.memref_slice %arg9[%dma_wait3A_39, %dma_wait3A_40] : memref<800x32xf32, #tpu.memory_space<vmem>> -> memref<400x32xf32, #tpu.memory_space<vmem>>
      %dma_wait3A_42 = arith.constant 0 : i32
      %dma_wait3A_43 = tpu.memref_slice %arg8[%dma_wait3A_42] : memref<800xi32, #tpu.memory_space<vmem>> -> memref<400xi32, #tpu.memory_space<vmem>>
      %dma_wait3A_44 = arith.constant 0 : i32
      %dma_wait3A_45 = arith.constant 0 : i32
      %dma_wait3A_46 = tpu.memref_slice %arg10[%dma_wait3A_44, %dma_wait3A_45] : memref<50048x32xf32, #tpu.memory_space<vmem_shared>> -> memref<50048x32xf32, #tpu.memory_space<vmem_shared>>
      tpu.wait_indirect_dma semaphore(%run_scoped3A : memref<!tpu.dma_semaphore, #tpu.memory_space<semaphore_mem>>) src(%dma_wait3A_41 : memref<400x32xf32, #tpu.memory_space<vmem>>) dst(%dma_wait3A_46 : memref<50048x32xf32, #tpu.memory_space<vmem_shared>>)
      tpu.yield
    }) : () -> ()
    %barrier3A_30 = arith.constant 0 : index
    tpu.barrier barrier_id(%barrier3A_30)
    "tpu.region"() ({
      %run_scoped3A = tpu.sem_alloc : memref<!tpu.dma_semaphore, #tpu.memory_space<semaphore_mem>>
      %dma_start3A_31 = arith.constant 0 : i32
      %dma_start3A_32 = arith.constant 0 : i32
      %dma_start3A_33 = tpu.memref_slice %arg6[%arg0, %dma_start3A_31, %dma_start3A_32] : memref<2x50048x32xf32, #tpu.memory_space<hbm>> -> memref<1x50048x32xf32, #tpu.memory_space<hbm>>
      %dma_start3A_34 = tpu.memref_squeeze %dma_start3A_33 : memref<1x50048x32xf32, #tpu.memory_space<hbm>> -> memref<50048x32xf32, #tpu.memory_space<hbm>>
      %dma_start3A_35 = arith.constant 0 : i32
      %dma_start3A_36 = tpu.memref_slice %dma_start3A_34[%mul3A_0, %dma_start3A_35] : memref<50048x32xf32, #tpu.memory_space<hbm>> -> memref<3128x32xf32, #tpu.memory_space<hbm>>
      %dma_start3A_37 = arith.constant 0 : i32
      %dma_start3A_38 = tpu.memref_slice %arg10[%mul3A_0, %dma_start3A_37] : memref<50048x32xf32, #tpu.memory_space<vmem_shared>> -> memref<3128x32xf32, #tpu.memory_space<vmem_shared>>
      tpu.enqueue_dma source(%dma_start3A_38 : memref<3128x32xf32, #tpu.memory_space<vmem_shared>>) target(%dma_start3A_36 : memref<3128x32xf32, #tpu.memory_space<hbm>>) target_semaphore(%run_scoped3A : memref<!tpu.dma_semaphore, #tpu.memory_space<semaphore_mem>>)
      %dma_wait3A_39 = arith.constant 0 : i32
      %dma_wait3A_40 = arith.constant 0 : i32
      %dma_wait3A_41 = tpu.memref_slice %arg6[%arg0, %dma_wait3A_39, %dma_wait3A_40] : memref<2x50048x32xf32, #tpu.memory_space<hbm>> -> memref<1x50048x32xf32, #tpu.memory_space<hbm>>
      %dma_wait3A_42 = tpu.memref_squeeze %dma_wait3A_41 : memref<1x50048x32xf32, #tpu.memory_space<hbm>> -> memref<50048x32xf32, #tpu.memory_space<hbm>>
      %dma_wait3A_43 = arith.constant 0 : i32
      %dma_wait3A_44 = tpu.memref_slice %dma_wait3A_42[%mul3A_0, %dma_wait3A_43] : memref<50048x32xf32, #tpu.memory_space<hbm>> -> memref<3128x32xf32, #tpu.memory_space<hbm>>
      %dma_wait3A_45 = arith.constant 0 : i32
      %dma_wait3A_46 = tpu.memref_slice %arg10[%mul3A_0, %dma_wait3A_45] : memref<50048x32xf32, #tpu.memory_space<vmem_shared>> -> memref<3128x32xf32, #tpu.memory_space<vmem_shared>>
      tpu.wait_dma2 semaphore(%run_scoped3A : memref<!tpu.dma_semaphore, #tpu.memory_space<semaphore_mem>>) src(%dma_wait3A_46 : memref<3128x32xf32, #tpu.memory_space<vmem_shared>>) dst(%dma_wait3A_44 : memref<3128x32xf32, #tpu.memory_space<hbm>>)
      tpu.yield
    }) : () -> ()
    return
  }
}

#map = affine_map<(d0, d1) -> (0, 0, 0)>
#map1 = affine_map<(d0, d1) -> (0)>
#map2 = affine_map<(d0, d1) -> (0, 0)>
module attributes {stable_mosaic.version = 14 : i64} {
  func.func @_seg_sum(%arg0: i32, %arg1: i32, %arg2: memref<2x50000x32xf32, #tpu.memory_space<hbm>>, %arg3: memref<800000xi32, #tpu.memory_space<hbm>>, %arg4: memref<800000xi32, #tpu.memory_space<hbm>>, %arg5: memref<3128x32xf32, #tpu.memory_space<hbm>>, %arg6: memref<2x50048x32xf32, #tpu.memory_space<hbm>>, %arg7: memref<800xi32, #tpu.memory_space<vmem>>, %arg8: memref<800xi32, #tpu.memory_space<vmem>>, %arg9: memref<800x32xf32, #tpu.memory_space<vmem>>, %arg10: memref<50048x32xf32, #tpu.memory_space<vmem_shared>>, %arg11: memref<!tpu.dma_semaphore, #tpu.memory_space<semaphore_mem>>) attributes {dimension_semantics = [#tpu.dimension_semantics<core_parallel>, #tpu.dimension_semantics<subcore_parallel>], iteration_bounds = array<i64: 2, 16>, scalar_prefetch = 0 : i64, scratch_operands = 5 : i64, tpu.core_type = #tpu.core_type<sc_vector_subcore>, window_params = [{transform_indices = #map}, {transform_indices = #map1}, {transform_indices = #map1}, {transform_indices = #map2}, {transform_indices = #map}]} {
    %mul3A = arith.constant 3128 : i32
    %mul3A_0 = arith.muli %arg1, %mul3A : i32
    "tpu.region"() ({
      %run_scoped3A = tpu.sem_alloc : memref<!tpu.dma_semaphore, #tpu.memory_space<semaphore_mem>>
      %dma_start3A_31 = arith.constant 0 : i32
      %dma_start3A_32 = tpu.memref_slice %arg10[%mul3A_0, %dma_start3A_31] : memref<50048x32xf32, #tpu.memory_space<vmem_shared>> -> memref<3128x32xf32, #tpu.memory_space<vmem_shared>>
      tpu.enqueue_dma source(%arg5 : memref<3128x32xf32, #tpu.memory_space<hbm>>) target(%dma_start3A_32 : memref<3128x32xf32, #tpu.memory_space<vmem_shared>>) target_semaphore(%run_scoped3A : memref<!tpu.dma_semaphore, #tpu.memory_space<semaphore_mem>>)
      %dma_wait3A_33 = arith.constant 0 : i32
      %dma_wait3A_34 = tpu.memref_slice %arg10[%mul3A_0, %dma_wait3A_33] : memref<50048x32xf32, #tpu.memory_space<vmem_shared>> -> memref<3128x32xf32, #tpu.memory_space<vmem_shared>>
      tpu.wait_dma2 semaphore(%run_scoped3A : memref<!tpu.dma_semaphore, #tpu.memory_space<semaphore_mem>>) src(%arg5 : memref<3128x32xf32, #tpu.memory_space<hbm>>) dst(%dma_wait3A_34 : memref<3128x32xf32, #tpu.memory_space<vmem_shared>>)
      tpu.yield
    }) : () -> ()
    %barrier3A = arith.constant 0 : index
    tpu.barrier barrier_id(%barrier3A)
    %mul3A_1 = arith.constant 50000 : i32
    %mul3A_2 = arith.muli %arg1, %mul3A_1 : i32
    %multiple_of3A = tpu.assume_multiple %mul3A_2, 8 : i32
    %scan3A = arith.constant 0 : i32
    %scan3A_3 = arith.constant 62 : i32
    %scan3A_4 = arith.addi %scan3A, %scan3A_3 : i32
    %scan3A_5 = arith.constant 1 : i32
    scf.for %scan3A_31 = %scan3A to %scan3A_4 step %scan3A_5  : i32 {
      %mul3A_32 = arith.constant 1 : i32
      %mul3A_33 = arith.muli %scan3A_31, %mul3A_32 : i32
      %add3A_34 = arith.constant 0 : i32
      %add3A_35 = arith.addi %add3A_34, %mul3A_33 : i32
      %mul3A_36 = arith.constant 800 : i32
      %mul3A_37 = arith.muli %add3A_35, %mul3A_36 : i32
      %add3A_38 = arith.addi %multiple_of3A, %mul3A_37 : i32
      "tpu.region"() ({
        %run_scoped3A = tpu.sem_alloc : memref<!tpu.dma_semaphore, #tpu.memory_space<semaphore_mem>>
        %dma_start3A_63 = arith.constant 0 : i32
        %dma_start3A_64 = tpu.memref_slice %arg7[%dma_start3A_63] : memref<800xi32, #tpu.memory_space<vmem>> -> memref<800xi32, #tpu.memory_space<vmem>>
        %dma_start3A_65 = tpu.memref_slice %arg3[%add3A_38] : memref<800000xi32, #tpu.memory_space<hbm>> -> memref<800xi32, #tpu.memory_space<hbm>>
        %dma_start3A_66 = arith.constant 0 : i32
        %dma_start3A_67 = tpu.memref_slice %arg7[%dma_start3A_66] : memref<800xi32, #tpu.memory_space<vmem>> -> memref<800xi32, #tpu.memory_space<vmem>>
        %dma_start3A_68 = tpu.memref_slice %arg3[%add3A_38] : memref<800000xi32, #tpu.memory_space<hbm>> -> memref<800xi32, #tpu.memory_space<hbm>>
        tpu.enqueue_dma source(%dma_start3A_68 : memref<800xi32, #tpu.memory_space<hbm>>) target(%dma_start3A_67 : memref<800xi32, #tpu.memory_space<vmem>>) target_semaphore(%run_scoped3A : memref<!tpu.dma_semaphore, #tpu.memory_space<semaphore_mem>>)
        %dma_wait3A_69 = arith.constant 0 : i32
        %dma_wait3A_70 = tpu.memref_slice %arg7[%dma_wait3A_69] : memref<800xi32, #tpu.memory_space<vmem>> -> memref<800xi32, #tpu.memory_space<vmem>>
        %dma_wait3A_71 = tpu.memref_slice %arg3[%add3A_38] : memref<800000xi32, #tpu.memory_space<hbm>> -> memref<800xi32, #tpu.memory_space<hbm>>
        %dma_wait3A_72 = arith.constant 0 : i32
        %dma_wait3A_73 = tpu.memref_slice %arg7[%dma_wait3A_72] : memref<800xi32, #tpu.memory_space<vmem>> -> memref<800xi32, #tpu.memory_space<vmem>>
        %dma_wait3A_74 = tpu.memref_slice %arg3[%add3A_38] : memref<800000xi32, #tpu.memory_space<hbm>> -> memref<800xi32, #tpu.memory_space<hbm>>
        tpu.wait_dma2 semaphore(%run_scoped3A : memref<!tpu.dma_semaphore, #tpu.memory_space<semaphore_mem>>) src(%dma_wait3A_74 : memref<800xi32, #tpu.memory_space<hbm>>) dst(%dma_wait3A_73 : memref<800xi32, #tpu.memory_space<vmem>>)
        tpu.yield
      }) : () -> ()
      "tpu.region"() ({
        %run_scoped3A = tpu.sem_alloc : memref<!tpu.dma_semaphore, #tpu.memory_space<semaphore_mem>>
        %dma_start3A_63 = arith.constant 0 : i32
        %dma_start3A_64 = tpu.memref_slice %arg8[%dma_start3A_63] : memref<800xi32, #tpu.memory_space<vmem>> -> memref<800xi32, #tpu.memory_space<vmem>>
        %dma_start3A_65 = tpu.memref_slice %arg4[%add3A_38] : memref<800000xi32, #tpu.memory_space<hbm>> -> memref<800xi32, #tpu.memory_space<hbm>>
        %dma_start3A_66 = arith.constant 0 : i32
        %dma_start3A_67 = tpu.memref_slice %arg8[%dma_start3A_66] : memref<800xi32, #tpu.memory_space<vmem>> -> memref<800xi32, #tpu.memory_space<vmem>>
        %dma_start3A_68 = tpu.memref_slice %arg4[%add3A_38] : memref<800000xi32, #tpu.memory_space<hbm>> -> memref<800xi32, #tpu.memory_space<hbm>>
        tpu.enqueue_dma source(%dma_start3A_68 : memref<800xi32, #tpu.memory_space<hbm>>) target(%dma_start3A_67 : memref<800xi32, #tpu.memory_space<vmem>>) target_semaphore(%run_scoped3A : memref<!tpu.dma_semaphore, #tpu.memory_space<semaphore_mem>>)
        %dma_wait3A_69 = arith.constant 0 : i32
        %dma_wait3A_70 = tpu.memref_slice %arg8[%dma_wait3A_69] : memref<800xi32, #tpu.memory_space<vmem>> -> memref<800xi32, #tpu.memory_space<vmem>>
        %dma_wait3A_71 = tpu.memref_slice %arg4[%add3A_38] : memref<800000xi32, #tpu.memory_space<hbm>> -> memref<800xi32, #tpu.memory_space<hbm>>
        %dma_wait3A_72 = arith.constant 0 : i32
        %dma_wait3A_73 = tpu.memref_slice %arg8[%dma_wait3A_72] : memref<800xi32, #tpu.memory_space<vmem>> -> memref<800xi32, #tpu.memory_space<vmem>>
        %dma_wait3A_74 = tpu.memref_slice %arg4[%add3A_38] : memref<800000xi32, #tpu.memory_space<hbm>> -> memref<800xi32, #tpu.memory_space<hbm>>
        tpu.wait_dma2 semaphore(%run_scoped3A : memref<!tpu.dma_semaphore, #tpu.memory_space<semaphore_mem>>) src(%dma_wait3A_74 : memref<800xi32, #tpu.memory_space<hbm>>) dst(%dma_wait3A_73 : memref<800xi32, #tpu.memory_space<vmem>>)
        tpu.yield
      }) : () -> ()
      %dma_start3A_39 = arith.constant 0 : i32
      %dma_start3A_40 = arith.constant 0 : i32
      %dma_start3A_41 = tpu.memref_slice %arg9[%dma_start3A_39, %dma_start3A_40] : memref<800x32xf32, #tpu.memory_space<vmem>> -> memref<800x32xf32, #tpu.memory_space<vmem>>
      %dma_start3A_42 = arith.constant 0 : i32
      %dma_start3A_43 = tpu.memref_slice %arg7[%dma_start3A_42] : memref<800xi32, #tpu.memory_space<vmem>> -> memref<800xi32, #tpu.memory_space<vmem>>
      %dma_start3A_44 = arith.constant 0 : i32
      %dma_start3A_45 = arith.constant 0 : i32
      %dma_start3A_46 = tpu.memref_slice %arg2[%arg0, %dma_start3A_44, %dma_start3A_45] : memref<2x50000x32xf32, #tpu.memory_space<hbm>> -> memref<1x50000x32xf32, #tpu.memory_space<hbm>>
      %dma_start3A_47 = tpu.memref_squeeze %dma_start3A_46 : memref<1x50000x32xf32, #tpu.memory_space<hbm>> -> memref<50000x32xf32, #tpu.memory_space<hbm>>
      %dma_start3A_48 = arith.constant 0 : i32
      %dma_start3A_49 = arith.constant 0 : i32
      %dma_start3A_50 = tpu.memref_slice %dma_start3A_47[%dma_start3A_48, %dma_start3A_49] : memref<50000x32xf32, #tpu.memory_space<hbm>> -> memref<50000x32xf32, #tpu.memory_space<hbm>>
      tpu.enqueue_indirect_dma source(%dma_start3A_50 : memref<50000x32xf32, #tpu.memory_space<hbm>>) target(%dma_start3A_41 : memref<800x32xf32, #tpu.memory_space<vmem>>) offsets(%dma_start3A_43 : memref<800xi32, #tpu.memory_space<vmem>>) semaphore(%arg11 : memref<!tpu.dma_semaphore, #tpu.memory_space<semaphore_mem>>)
      %dma_wait3A_51 = arith.constant 0 : i32
      %dma_wait3A_52 = arith.constant 0 : i32
      %dma_wait3A_53 = tpu.memref_slice %arg9[%dma_wait3A_51, %dma_wait3A_52] : memref<800x32xf32, #tpu.memory_space<vmem>> -> memref<800x32xf32, #tpu.memory_space<vmem>>
      %dma_wait3A_54 = arith.constant 0 : i32
      %dma_wait3A_55 = tpu.memref_slice %arg7[%dma_wait3A_54] : memref<800xi32, #tpu.memory_space<vmem>> -> memref<800xi32, #tpu.memory_space<vmem>>
      %dma_wait3A_56 = arith.constant 0 : i32
      %dma_wait3A_57 = arith.constant 0 : i32
      %dma_wait3A_58 = tpu.memref_slice %arg2[%arg0, %dma_wait3A_56, %dma_wait3A_57] : memref<2x50000x32xf32, #tpu.memory_space<hbm>> -> memref<1x50000x32xf32, #tpu.memory_space<hbm>>
      %dma_wait3A_59 = tpu.memref_squeeze %dma_wait3A_58 : memref<1x50000x32xf32, #tpu.memory_space<hbm>> -> memref<50000x32xf32, #tpu.memory_space<hbm>>
      %dma_wait3A_60 = arith.constant 0 : i32
      %dma_wait3A_61 = arith.constant 0 : i32
      %dma_wait3A_62 = tpu.memref_slice %dma_wait3A_59[%dma_wait3A_60, %dma_wait3A_61] : memref<50000x32xf32, #tpu.memory_space<hbm>> -> memref<50000x32xf32, #tpu.memory_space<hbm>>
      tpu.wait_indirect_dma semaphore(%arg11 : memref<!tpu.dma_semaphore, #tpu.memory_space<semaphore_mem>>) src(%dma_wait3A_62 : memref<50000x32xf32, #tpu.memory_space<hbm>>) dst(%dma_wait3A_53 : memref<800x32xf32, #tpu.memory_space<vmem>>)
      "tpu.region"() ({
        %run_scoped3A = tpu.sem_alloc : memref<!tpu.dma_semaphore, #tpu.memory_space<semaphore_mem>>
        %dma_start3A_63 = arith.constant 0 : i32
        %dma_start3A_64 = arith.constant 0 : i32
        %dma_start3A_65 = tpu.memref_slice %arg9[%dma_start3A_63, %dma_start3A_64] : memref<800x32xf32, #tpu.memory_space<vmem>> -> memref<800x32xf32, #tpu.memory_space<vmem>>
        %dma_start3A_66 = arith.constant 0 : i32
        %dma_start3A_67 = tpu.memref_slice %arg8[%dma_start3A_66] : memref<800xi32, #tpu.memory_space<vmem>> -> memref<800xi32, #tpu.memory_space<vmem>>
        %dma_start3A_68 = arith.constant 0 : i32
        %dma_start3A_69 = arith.constant 0 : i32
        %dma_start3A_70 = tpu.memref_slice %arg10[%dma_start3A_68, %dma_start3A_69] : memref<50048x32xf32, #tpu.memory_space<vmem_shared>> -> memref<50048x32xf32, #tpu.memory_space<vmem_shared>>
        tpu.enqueue_indirect_dma source(%dma_start3A_65 : memref<800x32xf32, #tpu.memory_space<vmem>>) target(%dma_start3A_70 : memref<50048x32xf32, #tpu.memory_space<vmem_shared>>) offsets(%dma_start3A_67 : memref<800xi32, #tpu.memory_space<vmem>>) semaphore(%run_scoped3A : memref<!tpu.dma_semaphore, #tpu.memory_space<semaphore_mem>>) {add = true}
        %dma_wait3A_71 = arith.constant 0 : i32
        %dma_wait3A_72 = arith.constant 0 : i32
        %dma_wait3A_73 = tpu.memref_slice %arg9[%dma_wait3A_71, %dma_wait3A_72] : memref<800x32xf32, #tpu.memory_space<vmem>> -> memref<800x32xf32, #tpu.memory_space<vmem>>
        %dma_wait3A_74 = arith.constant 0 : i32
        %dma_wait3A_75 = tpu.memref_slice %arg8[%dma_wait3A_74] : memref<800xi32, #tpu.memory_space<vmem>> -> memref<800xi32, #tpu.memory_space<vmem>>
        %dma_wait3A_76 = arith.constant 0 : i32
        %dma_wait3A_77 = arith.constant 0 : i32
        %dma_wait3A_78 = tpu.memref_slice %arg10[%dma_wait3A_76, %dma_wait3A_77] : memref<50048x32xf32, #tpu.memory_space<vmem_shared>> -> memref<50048x32xf32, #tpu.memory_space<vmem_shared>>
        tpu.wait_indirect_dma semaphore(%run_scoped3A : memref<!tpu.dma_semaphore, #tpu.memory_space<semaphore_mem>>) src(%dma_wait3A_73 : memref<800x32xf32, #tpu.memory_space<vmem>>) dst(%dma_wait3A_78 : memref<50048x32xf32, #tpu.memory_space<vmem_shared>>)
        tpu.yield
      }) : () -> ()
    }
    %scan3A_6 = arith.constant 62 : i32
    %add3A = arith.constant 49600 : i32
    %add3A_7 = arith.addi %multiple_of3A, %add3A : i32
    "tpu.region"() ({
      %run_scoped3A = tpu.sem_alloc : memref<!tpu.dma_semaphore, #tpu.memory_space<semaphore_mem>>
      %dma_start3A_31 = arith.constant 0 : i32
      %dma_start3A_32 = tpu.memref_slice %arg7[%dma_start3A_31] : memref<800xi32, #tpu.memory_space<vmem>> -> memref<400xi32, #tpu.memory_space<vmem>>
      %dma_start3A_33 = tpu.memref_slice %arg3[%add3A_7] : memref<800000xi32, #tpu.memory_space<hbm>> -> memref<400xi32, #tpu.memory_space<hbm>>
      %dma_start3A_34 = arith.constant 0 : i32
      %dma_start3A_35 = tpu.memref_slice %arg7[%dma_start3A_34] : memref<800xi32, #tpu.memory_space<vmem>> -> memref<400xi32, #tpu.memory_space<vmem>>
      %dma_start3A_36 = tpu.memref_slice %arg3[%add3A_7] : memref<800000xi32, #tpu.memory_space<hbm>> -> memref<400xi32, #tpu.memory_space<hbm>>
      tpu.enqueue_dma source(%dma_start3A_36 : memref<400xi32, #tpu.memory_space<hbm>>) target(%dma_start3A_35 : memref<400xi32, #tpu.memory_space<vmem>>) target_semaphore(%run_scoped3A : memref<!tpu.dma_semaphore, #tpu.memory_space<semaphore_mem>>)
      %dma_wait3A_37 = arith.constant 0 : i32
      %dma_wait3A_38 = tpu.memref_slice %arg7[%dma_wait3A_37] : memref<800xi32, #tpu.memory_space<vmem>> -> memref<400xi32, #tpu.memory_space<vmem>>
      %dma_wait3A_39 = tpu.memref_slice %arg3[%add3A_7] : memref<800000xi32, #tpu.memory_space<hbm>> -> memref<400xi32, #tpu.memory_space<hbm>>
      %dma_wait3A_40 = arith.constant 0 : i32
      %dma_wait3A_41 = tpu.memref_slice %arg7[%dma_wait3A_40] : memref<800xi32, #tpu.memory_space<vmem>> -> memref<400xi32, #tpu.memory_space<vmem>>
      %dma_wait3A_42 = tpu.memref_slice %arg3[%add3A_7] : memref<800000xi32, #tpu.memory_space<hbm>> -> memref<400xi32, #tpu.memory_space<hbm>>
      tpu.wait_dma2 semaphore(%run_scoped3A : memref<!tpu.dma_semaphore, #tpu.memory_space<semaphore_mem>>) src(%dma_wait3A_42 : memref<400xi32, #tpu.memory_space<hbm>>) dst(%dma_wait3A_41 : memref<400xi32, #tpu.memory_space<vmem>>)
      tpu.yield
    }) : () -> ()
    "tpu.region"() ({
      %run_scoped3A = tpu.sem_alloc : memref<!tpu.dma_semaphore, #tpu.memory_space<semaphore_mem>>
      %dma_start3A_31 = arith.constant 0 : i32
      %dma_start3A_32 = tpu.memref_slice %arg8[%dma_start3A_31] : memref<800xi32, #tpu.memory_space<vmem>> -> memref<400xi32, #tpu.memory_space<vmem>>
      %dma_start3A_33 = tpu.memref_slice %arg4[%add3A_7] : memref<800000xi32, #tpu.memory_space<hbm>> -> memref<400xi32, #tpu.memory_space<hbm>>
      %dma_start3A_34 = arith.constant 0 : i32
      %dma_start3A_35 = tpu.memref_slice %arg8[%dma_start3A_34] : memref<800xi32, #tpu.memory_space<vmem>> -> memref<400xi32, #tpu.memory_space<vmem>>
      %dma_start3A_36 = tpu.memref_slice %arg4[%add3A_7] : memref<800000xi32, #tpu.memory_space<hbm>> -> memref<400xi32, #tpu.memory_space<hbm>>
      tpu.enqueue_dma source(%dma_start3A_36 : memref<400xi32, #tpu.memory_space<hbm>>) target(%dma_start3A_35 : memref<400xi32, #tpu.memory_space<vmem>>) target_semaphore(%run_scoped3A : memref<!tpu.dma_semaphore, #tpu.memory_space<semaphore_mem>>)
      %dma_wait3A_37 = arith.constant 0 : i32
      %dma_wait3A_38 = tpu.memref_slice %arg8[%dma_wait3A_37] : memref<800xi32, #tpu.memory_space<vmem>> -> memref<400xi32, #tpu.memory_space<vmem>>
      %dma_wait3A_39 = tpu.memref_slice %arg4[%add3A_7] : memref<800000xi32, #tpu.memory_space<hbm>> -> memref<400xi32, #tpu.memory_space<hbm>>
      %dma_wait3A_40 = arith.constant 0 : i32
      %dma_wait3A_41 = tpu.memref_slice %arg8[%dma_wait3A_40] : memref<800xi32, #tpu.memory_space<vmem>> -> memref<400xi32, #tpu.memory_space<vmem>>
      %dma_wait3A_42 = tpu.memref_slice %arg4[%add3A_7] : memref<800000xi32, #tpu.memory_space<hbm>> -> memref<400xi32, #tpu.memory_space<hbm>>
      tpu.wait_dma2 semaphore(%run_scoped3A : memref<!tpu.dma_semaphore, #tpu.memory_space<semaphore_mem>>) src(%dma_wait3A_42 : memref<400xi32, #tpu.memory_space<hbm>>) dst(%dma_wait3A_41 : memref<400xi32, #tpu.memory_space<vmem>>)
      tpu.yield
    }) : () -> ()
    %dma_start3A = arith.constant 0 : i32
    %dma_start3A_8 = arith.constant 0 : i32
    %dma_start3A_9 = tpu.memref_slice %arg9[%dma_start3A, %dma_start3A_8] : memref<800x32xf32, #tpu.memory_space<vmem>> -> memref<400x32xf32, #tpu.memory_space<vmem>>
    %dma_start3A_10 = arith.constant 0 : i32
    %dma_start3A_11 = tpu.memref_slice %arg7[%dma_start3A_10] : memref<800xi32, #tpu.memory_space<vmem>> -> memref<400xi32, #tpu.memory_space<vmem>>
    %dma_start3A_12 = arith.constant 0 : i32
    %dma_start3A_13 = arith.constant 0 : i32
    %dma_start3A_14 = tpu.memref_slice %arg2[%arg0, %dma_start3A_12, %dma_start3A_13] : memref<2x50000x32xf32, #tpu.memory_space<hbm>> -> memref<1x50000x32xf32, #tpu.memory_space<hbm>>
    %dma_start3A_15 = tpu.memref_squeeze %dma_start3A_14 : memref<1x50000x32xf32, #tpu.memory_space<hbm>> -> memref<50000x32xf32, #tpu.memory_space<hbm>>
    %dma_start3A_16 = arith.constant 0 : i32
    %dma_start3A_17 = arith.constant 0 : i32
    %dma_start3A_18 = tpu.memref_slice %dma_start3A_15[%dma_start3A_16, %dma_start3A_17] : memref<50000x32xf32, #tpu.memory_space<hbm>> -> memref<50000x32xf32, #tpu.memory_space<hbm>>
    tpu.enqueue_indirect_dma source(%dma_start3A_18 : memref<50000x32xf32, #tpu.memory_space<hbm>>) target(%dma_start3A_9 : memref<400x32xf32, #tpu.memory_space<vmem>>) offsets(%dma_start3A_11 : memref<400xi32, #tpu.memory_space<vmem>>) semaphore(%arg11 : memref<!tpu.dma_semaphore, #tpu.memory_space<semaphore_mem>>)
    %dma_wait3A = arith.constant 0 : i32
    %dma_wait3A_19 = arith.constant 0 : i32
    %dma_wait3A_20 = tpu.memref_slice %arg9[%dma_wait3A, %dma_wait3A_19] : memref<800x32xf32, #tpu.memory_space<vmem>> -> memref<400x32xf32, #tpu.memory_space<vmem>>
    %dma_wait3A_21 = arith.constant 0 : i32
    %dma_wait3A_22 = tpu.memref_slice %arg7[%dma_wait3A_21] : memref<800xi32, #tpu.memory_space<vmem>> -> memref<400xi32, #tpu.memory_space<vmem>>
    %dma_wait3A_23 = arith.constant 0 : i32
    %dma_wait3A_24 = arith.constant 0 : i32
    %dma_wait3A_25 = tpu.memref_slice %arg2[%arg0, %dma_wait3A_23, %dma_wait3A_24] : memref<2x50000x32xf32, #tpu.memory_space<hbm>> -> memref<1x50000x32xf32, #tpu.memory_space<hbm>>
    %dma_wait3A_26 = tpu.memref_squeeze %dma_wait3A_25 : memref<1x50000x32xf32, #tpu.memory_space<hbm>> -> memref<50000x32xf32, #tpu.memory_space<hbm>>
    %dma_wait3A_27 = arith.constant 0 : i32
    %dma_wait3A_28 = arith.constant 0 : i32
    %dma_wait3A_29 = tpu.memref_slice %dma_wait3A_26[%dma_wait3A_27, %dma_wait3A_28] : memref<50000x32xf32, #tpu.memory_space<hbm>> -> memref<50000x32xf32, #tpu.memory_space<hbm>>
    tpu.wait_indirect_dma semaphore(%arg11 : memref<!tpu.dma_semaphore, #tpu.memory_space<semaphore_mem>>) src(%dma_wait3A_29 : memref<50000x32xf32, #tpu.memory_space<hbm>>) dst(%dma_wait3A_20 : memref<400x32xf32, #tpu.memory_space<vmem>>)
    "tpu.region"() ({
      %run_scoped3A = tpu.sem_alloc : memref<!tpu.dma_semaphore, #tpu.memory_space<semaphore_mem>>
      %dma_start3A_31 = arith.constant 0 : i32
      %dma_start3A_32 = arith.constant 0 : i32
      %dma_start3A_33 = tpu.memref_slice %arg9[%dma_start3A_31, %dma_start3A_32] : memref<800x32xf32, #tpu.memory_space<vmem>> -> memref<400x32xf32, #tpu.memory_space<vmem>>
      %dma_start3A_34 = arith.constant 0 : i32
      %dma_start3A_35 = tpu.memref_slice %arg8[%dma_start3A_34] : memref<800xi32, #tpu.memory_space<vmem>> -> memref<400xi32, #tpu.memory_space<vmem>>
      %dma_start3A_36 = arith.constant 0 : i32
      %dma_start3A_37 = arith.constant 0 : i32
      %dma_start3A_38 = tpu.memref_slice %arg10[%dma_start3A_36, %dma_start3A_37] : memref<50048x32xf32, #tpu.memory_space<vmem_shared>> -> memref<50048x32xf32, #tpu.memory_space<vmem_shared>>
      tpu.enqueue_indirect_dma source(%dma_start3A_33 : memref<400x32xf32, #tpu.memory_space<vmem>>) target(%dma_start3A_38 : memref<50048x32xf32, #tpu.memory_space<vmem_shared>>) offsets(%dma_start3A_35 : memref<400xi32, #tpu.memory_space<vmem>>) semaphore(%run_scoped3A : memref<!tpu.dma_semaphore, #tpu.memory_space<semaphore_mem>>) {add = true}
      %dma_wait3A_39 = arith.constant 0 : i32
      %dma_wait3A_40 = arith.constant 0 : i32
      %dma_wait3A_41 = tpu.memref_slice %arg9[%dma_wait3A_39, %dma_wait3A_40] : memref<800x32xf32, #tpu.memory_space<vmem>> -> memref<400x32xf32, #tpu.memory_space<vmem>>
      %dma_wait3A_42 = arith.constant 0 : i32
      %dma_wait3A_43 = tpu.memref_slice %arg8[%dma_wait3A_42] : memref<800xi32, #tpu.memory_space<vmem>> -> memref<400xi32, #tpu.memory_space<vmem>>
      %dma_wait3A_44 = arith.constant 0 : i32
      %dma_wait3A_45 = arith.constant 0 : i32
      %dma_wait3A_46 = tpu.memref_slice %arg10[%dma_wait3A_44, %dma_wait3A_45] : memref<50048x32xf32, #tpu.memory_space<vmem_shared>> -> memref<50048x32xf32, #tpu.memory_space<vmem_shared>>
      tpu.wait_indirect_dma semaphore(%run_scoped3A : memref<!tpu.dma_semaphore, #tpu.memory_space<semaphore_mem>>) src(%dma_wait3A_41 : memref<400x32xf32, #tpu.memory_space<vmem>>) dst(%dma_wait3A_46 : memref<50048x32xf32, #tpu.memory_space<vmem_shared>>)
      tpu.yield
    }) : () -> ()
    %barrier3A_30 = arith.constant 0 : index
    tpu.barrier barrier_id(%barrier3A_30)
    "tpu.region"() ({
      %run_scoped3A = tpu.sem_alloc : memref<!tpu.dma_semaphore, #tpu.memory_space<semaphore_mem>>
      %dma_start3A_31 = arith.constant 0 : i32
      %dma_start3A_32 = arith.constant 0 : i32
      %dma_start3A_33 = tpu.memref_slice %arg6[%arg0, %dma_start3A_31, %dma_start3A_32] : memref<2x50048x32xf32, #tpu.memory_space<hbm>> -> memref<1x50048x32xf32, #tpu.memory_space<hbm>>
      %dma_start3A_34 = tpu.memref_squeeze %dma_start3A_33 : memref<1x50048x32xf32, #tpu.memory_space<hbm>> -> memref<50048x32xf32, #tpu.memory_space<hbm>>
      %dma_start3A_35 = arith.constant 0 : i32
      %dma_start3A_36 = tpu.memref_slice %dma_start3A_34[%mul3A_0, %dma_start3A_35] : memref<50048x32xf32, #tpu.memory_space<hbm>> -> memref<3128x32xf32, #tpu.memory_space<hbm>>
      %dma_start3A_37 = arith.constant 0 : i32
      %dma_start3A_38 = tpu.memref_slice %arg10[%mul3A_0, %dma_start3A_37] : memref<50048x32xf32, #tpu.memory_space<vmem_shared>> -> memref<3128x32xf32, #tpu.memory_space<vmem_shared>>
      tpu.enqueue_dma source(%dma_start3A_38 : memref<3128x32xf32, #tpu.memory_space<vmem_shared>>) target(%dma_start3A_36 : memref<3128x32xf32, #tpu.memory_space<hbm>>) target_semaphore(%run_scoped3A : memref<!tpu.dma_semaphore, #tpu.memory_space<semaphore_mem>>)
      %dma_wait3A_39 = arith.constant 0 : i32
      %dma_wait3A_40 = arith.constant 0 : i32
      %dma_wait3A_41 = tpu.memref_slice %arg6[%arg0, %dma_wait3A_39, %dma_wait3A_40] : memref<2x50048x32xf32, #tpu.memory_space<hbm>> -> memref<1x50048x32xf32, #tpu.memory_space<hbm>>
      %dma_wait3A_42 = tpu.memref_squeeze %dma_wait3A_41 : memref<1x50048x32xf32, #tpu.memory_space<hbm>> -> memref<50048x32xf32, #tpu.memory_space<hbm>>
      %dma_wait3A_43 = arith.constant 0 : i32
      %dma_wait3A_44 = tpu.memref_slice %dma_wait3A_42[%mul3A_0, %dma_wait3A_43] : memref<50048x32xf32, #tpu.memory_space<hbm>> -> memref<3128x32xf32, #tpu.memory_space<hbm>>
      %dma_wait3A_45 = arith.constant 0 : i32
      %dma_wait3A_46 = tpu.memref_slice %arg10[%mul3A_0, %dma_wait3A_45] : memref<50048x32xf32, #tpu.memory_space<vmem_shared>> -> memref<3128x32xf32, #tpu.memory_space<vmem_shared>>
      tpu.wait_dma2 semaphore(%run_scoped3A : memref<!tpu.dma_semaphore, #tpu.memory_space<semaphore_mem>>) src(%dma_wait3A_46 : memref<3128x32xf32, #tpu.memory_space<vmem_shared>>) dst(%dma_wait3A_44 : memref<3128x32xf32, #tpu.memory_space<hbm>>)
      tpu.yield
    }) : () -> ()
    return
  }
}

#map = affine_map<(d0, d1) -> (0, 0, 0)>
#map1 = affine_map<(d0, d1) -> (0)>
#map2 = affine_map<(d0, d1) -> (0, 0)>
module attributes {stable_mosaic.version = 14 : i64} {
  func.func @_seg_sum(%arg0: i32, %arg1: i32, %arg2: memref<2x50000x32xf32, #tpu.memory_space<hbm>>, %arg3: memref<800000xi32, #tpu.memory_space<hbm>>, %arg4: memref<800000xi32, #tpu.memory_space<hbm>>, %arg5: memref<3128x32xf32, #tpu.memory_space<hbm>>, %arg6: memref<2x50048x32xf32, #tpu.memory_space<hbm>>, %arg7: memref<800xi32, #tpu.memory_space<vmem>>, %arg8: memref<800xi32, #tpu.memory_space<vmem>>, %arg9: memref<800x32xf32, #tpu.memory_space<vmem>>, %arg10: memref<50048x32xf32, #tpu.memory_space<vmem_shared>>, %arg11: memref<!tpu.dma_semaphore, #tpu.memory_space<semaphore_mem>>) attributes {dimension_semantics = [#tpu.dimension_semantics<core_parallel>, #tpu.dimension_semantics<subcore_parallel>], iteration_bounds = array<i64: 2, 16>, scalar_prefetch = 0 : i64, scratch_operands = 5 : i64, tpu.core_type = #tpu.core_type<sc_vector_subcore>, window_params = [{transform_indices = #map}, {transform_indices = #map1}, {transform_indices = #map1}, {transform_indices = #map2}, {transform_indices = #map}]} {
    %mul3A = arith.constant 3128 : i32
    %mul3A_0 = arith.muli %arg1, %mul3A : i32
    "tpu.region"() ({
      %run_scoped3A = tpu.sem_alloc : memref<!tpu.dma_semaphore, #tpu.memory_space<semaphore_mem>>
      %dma_start3A_31 = arith.constant 0 : i32
      %dma_start3A_32 = tpu.memref_slice %arg10[%mul3A_0, %dma_start3A_31] : memref<50048x32xf32, #tpu.memory_space<vmem_shared>> -> memref<3128x32xf32, #tpu.memory_space<vmem_shared>>
      tpu.enqueue_dma source(%arg5 : memref<3128x32xf32, #tpu.memory_space<hbm>>) target(%dma_start3A_32 : memref<3128x32xf32, #tpu.memory_space<vmem_shared>>) target_semaphore(%run_scoped3A : memref<!tpu.dma_semaphore, #tpu.memory_space<semaphore_mem>>)
      %dma_wait3A_33 = arith.constant 0 : i32
      %dma_wait3A_34 = tpu.memref_slice %arg10[%mul3A_0, %dma_wait3A_33] : memref<50048x32xf32, #tpu.memory_space<vmem_shared>> -> memref<3128x32xf32, #tpu.memory_space<vmem_shared>>
      tpu.wait_dma2 semaphore(%run_scoped3A : memref<!tpu.dma_semaphore, #tpu.memory_space<semaphore_mem>>) src(%arg5 : memref<3128x32xf32, #tpu.memory_space<hbm>>) dst(%dma_wait3A_34 : memref<3128x32xf32, #tpu.memory_space<vmem_shared>>)
      tpu.yield
    }) : () -> ()
    %barrier3A = arith.constant 0 : index
    tpu.barrier barrier_id(%barrier3A)
    %mul3A_1 = arith.constant 50000 : i32
    %mul3A_2 = arith.muli %arg1, %mul3A_1 : i32
    %multiple_of3A = tpu.assume_multiple %mul3A_2, 8 : i32
    %scan3A = arith.constant 0 : i32
    %scan3A_3 = arith.constant 62 : i32
    %scan3A_4 = arith.addi %scan3A, %scan3A_3 : i32
    %scan3A_5 = arith.constant 1 : i32
    scf.for %scan3A_31 = %scan3A to %scan3A_4 step %scan3A_5  : i32 {
      %mul3A_32 = arith.constant 1 : i32
      %mul3A_33 = arith.muli %scan3A_31, %mul3A_32 : i32
      %add3A_34 = arith.constant 0 : i32
      %add3A_35 = arith.addi %add3A_34, %mul3A_33 : i32
      %mul3A_36 = arith.constant 800 : i32
      %mul3A_37 = arith.muli %add3A_35, %mul3A_36 : i32
      %add3A_38 = arith.addi %multiple_of3A, %mul3A_37 : i32
      "tpu.region"() ({
        %run_scoped3A = tpu.sem_alloc : memref<!tpu.dma_semaphore, #tpu.memory_space<semaphore_mem>>
        %dma_start3A_63 = arith.constant 0 : i32
        %dma_start3A_64 = tpu.memref_slice %arg7[%dma_start3A_63] : memref<800xi32, #tpu.memory_space<vmem>> -> memref<800xi32, #tpu.memory_space<vmem>>
        %dma_start3A_65 = tpu.memref_slice %arg3[%add3A_38] : memref<800000xi32, #tpu.memory_space<hbm>> -> memref<800xi32, #tpu.memory_space<hbm>>
        %dma_start3A_66 = arith.constant 0 : i32
        %dma_start3A_67 = tpu.memref_slice %arg7[%dma_start3A_66] : memref<800xi32, #tpu.memory_space<vmem>> -> memref<800xi32, #tpu.memory_space<vmem>>
        %dma_start3A_68 = tpu.memref_slice %arg3[%add3A_38] : memref<800000xi32, #tpu.memory_space<hbm>> -> memref<800xi32, #tpu.memory_space<hbm>>
        tpu.enqueue_dma source(%dma_start3A_68 : memref<800xi32, #tpu.memory_space<hbm>>) target(%dma_start3A_67 : memref<800xi32, #tpu.memory_space<vmem>>) target_semaphore(%run_scoped3A : memref<!tpu.dma_semaphore, #tpu.memory_space<semaphore_mem>>)
        %dma_wait3A_69 = arith.constant 0 : i32
        %dma_wait3A_70 = tpu.memref_slice %arg7[%dma_wait3A_69] : memref<800xi32, #tpu.memory_space<vmem>> -> memref<800xi32, #tpu.memory_space<vmem>>
        %dma_wait3A_71 = tpu.memref_slice %arg3[%add3A_38] : memref<800000xi32, #tpu.memory_space<hbm>> -> memref<800xi32, #tpu.memory_space<hbm>>
        %dma_wait3A_72 = arith.constant 0 : i32
        %dma_wait3A_73 = tpu.memref_slice %arg7[%dma_wait3A_72] : memref<800xi32, #tpu.memory_space<vmem>> -> memref<800xi32, #tpu.memory_space<vmem>>
        %dma_wait3A_74 = tpu.memref_slice %arg3[%add3A_38] : memref<800000xi32, #tpu.memory_space<hbm>> -> memref<800xi32, #tpu.memory_space<hbm>>
        tpu.wait_dma2 semaphore(%run_scoped3A : memref<!tpu.dma_semaphore, #tpu.memory_space<semaphore_mem>>) src(%dma_wait3A_74 : memref<800xi32, #tpu.memory_space<hbm>>) dst(%dma_wait3A_73 : memref<800xi32, #tpu.memory_space<vmem>>)
        tpu.yield
      }) : () -> ()
      "tpu.region"() ({
        %run_scoped3A = tpu.sem_alloc : memref<!tpu.dma_semaphore, #tpu.memory_space<semaphore_mem>>
        %dma_start3A_63 = arith.constant 0 : i32
        %dma_start3A_64 = tpu.memref_slice %arg8[%dma_start3A_63] : memref<800xi32, #tpu.memory_space<vmem>> -> memref<800xi32, #tpu.memory_space<vmem>>
        %dma_start3A_65 = tpu.memref_slice %arg4[%add3A_38] : memref<800000xi32, #tpu.memory_space<hbm>> -> memref<800xi32, #tpu.memory_space<hbm>>
        %dma_start3A_66 = arith.constant 0 : i32
        %dma_start3A_67 = tpu.memref_slice %arg8[%dma_start3A_66] : memref<800xi32, #tpu.memory_space<vmem>> -> memref<800xi32, #tpu.memory_space<vmem>>
        %dma_start3A_68 = tpu.memref_slice %arg4[%add3A_38] : memref<800000xi32, #tpu.memory_space<hbm>> -> memref<800xi32, #tpu.memory_space<hbm>>
        tpu.enqueue_dma source(%dma_start3A_68 : memref<800xi32, #tpu.memory_space<hbm>>) target(%dma_start3A_67 : memref<800xi32, #tpu.memory_space<vmem>>) target_semaphore(%run_scoped3A : memref<!tpu.dma_semaphore, #tpu.memory_space<semaphore_mem>>)
        %dma_wait3A_69 = arith.constant 0 : i32
        %dma_wait3A_70 = tpu.memref_slice %arg8[%dma_wait3A_69] : memref<800xi32, #tpu.memory_space<vmem>> -> memref<800xi32, #tpu.memory_space<vmem>>
        %dma_wait3A_71 = tpu.memref_slice %arg4[%add3A_38] : memref<800000xi32, #tpu.memory_space<hbm>> -> memref<800xi32, #tpu.memory_space<hbm>>
        %dma_wait3A_72 = arith.constant 0 : i32
        %dma_wait3A_73 = tpu.memref_slice %arg8[%dma_wait3A_72] : memref<800xi32, #tpu.memory_space<vmem>> -> memref<800xi32, #tpu.memory_space<vmem>>
        %dma_wait3A_74 = tpu.memref_slice %arg4[%add3A_38] : memref<800000xi32, #tpu.memory_space<hbm>> -> memref<800xi32, #tpu.memory_space<hbm>>
        tpu.wait_dma2 semaphore(%run_scoped3A : memref<!tpu.dma_semaphore, #tpu.memory_space<semaphore_mem>>) src(%dma_wait3A_74 : memref<800xi32, #tpu.memory_space<hbm>>) dst(%dma_wait3A_73 : memref<800xi32, #tpu.memory_space<vmem>>)
        tpu.yield
      }) : () -> ()
      %dma_start3A_39 = arith.constant 0 : i32
      %dma_start3A_40 = arith.constant 0 : i32
      %dma_start3A_41 = tpu.memref_slice %arg9[%dma_start3A_39, %dma_start3A_40] : memref<800x32xf32, #tpu.memory_space<vmem>> -> memref<800x32xf32, #tpu.memory_space<vmem>>
      %dma_start3A_42 = arith.constant 0 : i32
      %dma_start3A_43 = tpu.memref_slice %arg7[%dma_start3A_42] : memref<800xi32, #tpu.memory_space<vmem>> -> memref<800xi32, #tpu.memory_space<vmem>>
      %dma_start3A_44 = arith.constant 0 : i32
      %dma_start3A_45 = arith.constant 0 : i32
      %dma_start3A_46 = tpu.memref_slice %arg2[%arg0, %dma_start3A_44, %dma_start3A_45] : memref<2x50000x32xf32, #tpu.memory_space<hbm>> -> memref<1x50000x32xf32, #tpu.memory_space<hbm>>
      %dma_start3A_47 = tpu.memref_squeeze %dma_start3A_46 : memref<1x50000x32xf32, #tpu.memory_space<hbm>> -> memref<50000x32xf32, #tpu.memory_space<hbm>>
      %dma_start3A_48 = arith.constant 0 : i32
      %dma_start3A_49 = arith.constant 0 : i32
      %dma_start3A_50 = tpu.memref_slice %dma_start3A_47[%dma_start3A_48, %dma_start3A_49] : memref<50000x32xf32, #tpu.memory_space<hbm>> -> memref<50000x32xf32, #tpu.memory_space<hbm>>
      tpu.enqueue_indirect_dma source(%dma_start3A_50 : memref<50000x32xf32, #tpu.memory_space<hbm>>) target(%dma_start3A_41 : memref<800x32xf32, #tpu.memory_space<vmem>>) offsets(%dma_start3A_43 : memref<800xi32, #tpu.memory_space<vmem>>) semaphore(%arg11 : memref<!tpu.dma_semaphore, #tpu.memory_space<semaphore_mem>>)
      %dma_wait3A_51 = arith.constant 0 : i32
      %dma_wait3A_52 = arith.constant 0 : i32
      %dma_wait3A_53 = tpu.memref_slice %arg9[%dma_wait3A_51, %dma_wait3A_52] : memref<800x32xf32, #tpu.memory_space<vmem>> -> memref<800x32xf32, #tpu.memory_space<vmem>>
      %dma_wait3A_54 = arith.constant 0 : i32
      %dma_wait3A_55 = tpu.memref_slice %arg7[%dma_wait3A_54] : memref<800xi32, #tpu.memory_space<vmem>> -> memref<800xi32, #tpu.memory_space<vmem>>
      %dma_wait3A_56 = arith.constant 0 : i32
      %dma_wait3A_57 = arith.constant 0 : i32
      %dma_wait3A_58 = tpu.memref_slice %arg2[%arg0, %dma_wait3A_56, %dma_wait3A_57] : memref<2x50000x32xf32, #tpu.memory_space<hbm>> -> memref<1x50000x32xf32, #tpu.memory_space<hbm>>
      %dma_wait3A_59 = tpu.memref_squeeze %dma_wait3A_58 : memref<1x50000x32xf32, #tpu.memory_space<hbm>> -> memref<50000x32xf32, #tpu.memory_space<hbm>>
      %dma_wait3A_60 = arith.constant 0 : i32
      %dma_wait3A_61 = arith.constant 0 : i32
      %dma_wait3A_62 = tpu.memref_slice %dma_wait3A_59[%dma_wait3A_60, %dma_wait3A_61] : memref<50000x32xf32, #tpu.memory_space<hbm>> -> memref<50000x32xf32, #tpu.memory_space<hbm>>
      tpu.wait_indirect_dma semaphore(%arg11 : memref<!tpu.dma_semaphore, #tpu.memory_space<semaphore_mem>>) src(%dma_wait3A_62 : memref<50000x32xf32, #tpu.memory_space<hbm>>) dst(%dma_wait3A_53 : memref<800x32xf32, #tpu.memory_space<vmem>>)
      "tpu.region"() ({
        %run_scoped3A = tpu.sem_alloc : memref<!tpu.dma_semaphore, #tpu.memory_space<semaphore_mem>>
        %dma_start3A_63 = arith.constant 0 : i32
        %dma_start3A_64 = arith.constant 0 : i32
        %dma_start3A_65 = tpu.memref_slice %arg9[%dma_start3A_63, %dma_start3A_64] : memref<800x32xf32, #tpu.memory_space<vmem>> -> memref<800x32xf32, #tpu.memory_space<vmem>>
        %dma_start3A_66 = arith.constant 0 : i32
        %dma_start3A_67 = tpu.memref_slice %arg8[%dma_start3A_66] : memref<800xi32, #tpu.memory_space<vmem>> -> memref<800xi32, #tpu.memory_space<vmem>>
        %dma_start3A_68 = arith.constant 0 : i32
        %dma_start3A_69 = arith.constant 0 : i32
        %dma_start3A_70 = tpu.memref_slice %arg10[%dma_start3A_68, %dma_start3A_69] : memref<50048x32xf32, #tpu.memory_space<vmem_shared>> -> memref<50048x32xf32, #tpu.memory_space<vmem_shared>>
        tpu.enqueue_indirect_dma source(%dma_start3A_65 : memref<800x32xf32, #tpu.memory_space<vmem>>) target(%dma_start3A_70 : memref<50048x32xf32, #tpu.memory_space<vmem_shared>>) offsets(%dma_start3A_67 : memref<800xi32, #tpu.memory_space<vmem>>) semaphore(%run_scoped3A : memref<!tpu.dma_semaphore, #tpu.memory_space<semaphore_mem>>) {add = true}
        %dma_wait3A_71 = arith.constant 0 : i32
        %dma_wait3A_72 = arith.constant 0 : i32
        %dma_wait3A_73 = tpu.memref_slice %arg9[%dma_wait3A_71, %dma_wait3A_72] : memref<800x32xf32, #tpu.memory_space<vmem>> -> memref<800x32xf32, #tpu.memory_space<vmem>>
        %dma_wait3A_74 = arith.constant 0 : i32
        %dma_wait3A_75 = tpu.memref_slice %arg8[%dma_wait3A_74] : memref<800xi32, #tpu.memory_space<vmem>> -> memref<800xi32, #tpu.memory_space<vmem>>
        %dma_wait3A_76 = arith.constant 0 : i32
        %dma_wait3A_77 = arith.constant 0 : i32
        %dma_wait3A_78 = tpu.memref_slice %arg10[%dma_wait3A_76, %dma_wait3A_77] : memref<50048x32xf32, #tpu.memory_space<vmem_shared>> -> memref<50048x32xf32, #tpu.memory_space<vmem_shared>>
        tpu.wait_indirect_dma semaphore(%run_scoped3A : memref<!tpu.dma_semaphore, #tpu.memory_space<semaphore_mem>>) src(%dma_wait3A_73 : memref<800x32xf32, #tpu.memory_space<vmem>>) dst(%dma_wait3A_78 : memref<50048x32xf32, #tpu.memory_space<vmem_shared>>)
        tpu.yield
      }) : () -> ()
    }
    %scan3A_6 = arith.constant 62 : i32
    %add3A = arith.constant 49600 : i32
    %add3A_7 = arith.addi %multiple_of3A, %add3A : i32
    "tpu.region"() ({
      %run_scoped3A = tpu.sem_alloc : memref<!tpu.dma_semaphore, #tpu.memory_space<semaphore_mem>>
      %dma_start3A_31 = arith.constant 0 : i32
      %dma_start3A_32 = tpu.memref_slice %arg7[%dma_start3A_31] : memref<800xi32, #tpu.memory_space<vmem>> -> memref<400xi32, #tpu.memory_space<vmem>>
      %dma_start3A_33 = tpu.memref_slice %arg3[%add3A_7] : memref<800000xi32, #tpu.memory_space<hbm>> -> memref<400xi32, #tpu.memory_space<hbm>>
      %dma_start3A_34 = arith.constant 0 : i32
      %dma_start3A_35 = tpu.memref_slice %arg7[%dma_start3A_34] : memref<800xi32, #tpu.memory_space<vmem>> -> memref<400xi32, #tpu.memory_space<vmem>>
      %dma_start3A_36 = tpu.memref_slice %arg3[%add3A_7] : memref<800000xi32, #tpu.memory_space<hbm>> -> memref<400xi32, #tpu.memory_space<hbm>>
      tpu.enqueue_dma source(%dma_start3A_36 : memref<400xi32, #tpu.memory_space<hbm>>) target(%dma_start3A_35 : memref<400xi32, #tpu.memory_space<vmem>>) target_semaphore(%run_scoped3A : memref<!tpu.dma_semaphore, #tpu.memory_space<semaphore_mem>>)
      %dma_wait3A_37 = arith.constant 0 : i32
      %dma_wait3A_38 = tpu.memref_slice %arg7[%dma_wait3A_37] : memref<800xi32, #tpu.memory_space<vmem>> -> memref<400xi32, #tpu.memory_space<vmem>>
      %dma_wait3A_39 = tpu.memref_slice %arg3[%add3A_7] : memref<800000xi32, #tpu.memory_space<hbm>> -> memref<400xi32, #tpu.memory_space<hbm>>
      %dma_wait3A_40 = arith.constant 0 : i32
      %dma_wait3A_41 = tpu.memref_slice %arg7[%dma_wait3A_40] : memref<800xi32, #tpu.memory_space<vmem>> -> memref<400xi32, #tpu.memory_space<vmem>>
      %dma_wait3A_42 = tpu.memref_slice %arg3[%add3A_7] : memref<800000xi32, #tpu.memory_space<hbm>> -> memref<400xi32, #tpu.memory_space<hbm>>
      tpu.wait_dma2 semaphore(%run_scoped3A : memref<!tpu.dma_semaphore, #tpu.memory_space<semaphore_mem>>) src(%dma_wait3A_42 : memref<400xi32, #tpu.memory_space<hbm>>) dst(%dma_wait3A_41 : memref<400xi32, #tpu.memory_space<vmem>>)
      tpu.yield
    }) : () -> ()
    "tpu.region"() ({
      %run_scoped3A = tpu.sem_alloc : memref<!tpu.dma_semaphore, #tpu.memory_space<semaphore_mem>>
      %dma_start3A_31 = arith.constant 0 : i32
      %dma_start3A_32 = tpu.memref_slice %arg8[%dma_start3A_31] : memref<800xi32, #tpu.memory_space<vmem>> -> memref<400xi32, #tpu.memory_space<vmem>>
      %dma_start3A_33 = tpu.memref_slice %arg4[%add3A_7] : memref<800000xi32, #tpu.memory_space<hbm>> -> memref<400xi32, #tpu.memory_space<hbm>>
      %dma_start3A_34 = arith.constant 0 : i32
      %dma_start3A_35 = tpu.memref_slice %arg8[%dma_start3A_34] : memref<800xi32, #tpu.memory_space<vmem>> -> memref<400xi32, #tpu.memory_space<vmem>>
      %dma_start3A_36 = tpu.memref_slice %arg4[%add3A_7] : memref<800000xi32, #tpu.memory_space<hbm>> -> memref<400xi32, #tpu.memory_space<hbm>>
      tpu.enqueue_dma source(%dma_start3A_36 : memref<400xi32, #tpu.memory_space<hbm>>) target(%dma_start3A_35 : memref<400xi32, #tpu.memory_space<vmem>>) target_semaphore(%run_scoped3A : memref<!tpu.dma_semaphore, #tpu.memory_space<semaphore_mem>>)
      %dma_wait3A_37 = arith.constant 0 : i32
      %dma_wait3A_38 = tpu.memref_slice %arg8[%dma_wait3A_37] : memref<800xi32, #tpu.memory_space<vmem>> -> memref<400xi32, #tpu.memory_space<vmem>>
      %dma_wait3A_39 = tpu.memref_slice %arg4[%add3A_7] : memref<800000xi32, #tpu.memory_space<hbm>> -> memref<400xi32, #tpu.memory_space<hbm>>
      %dma_wait3A_40 = arith.constant 0 : i32
      %dma_wait3A_41 = tpu.memref_slice %arg8[%dma_wait3A_40] : memref<800xi32, #tpu.memory_space<vmem>> -> memref<400xi32, #tpu.memory_space<vmem>>
      %dma_wait3A_42 = tpu.memref_slice %arg4[%add3A_7] : memref<800000xi32, #tpu.memory_space<hbm>> -> memref<400xi32, #tpu.memory_space<hbm>>
      tpu.wait_dma2 semaphore(%run_scoped3A : memref<!tpu.dma_semaphore, #tpu.memory_space<semaphore_mem>>) src(%dma_wait3A_42 : memref<400xi32, #tpu.memory_space<hbm>>) dst(%dma_wait3A_41 : memref<400xi32, #tpu.memory_space<vmem>>)
      tpu.yield
    }) : () -> ()
    %dma_start3A = arith.constant 0 : i32
    %dma_start3A_8 = arith.constant 0 : i32
    %dma_start3A_9 = tpu.memref_slice %arg9[%dma_start3A, %dma_start3A_8] : memref<800x32xf32, #tpu.memory_space<vmem>> -> memref<400x32xf32, #tpu.memory_space<vmem>>
    %dma_start3A_10 = arith.constant 0 : i32
    %dma_start3A_11 = tpu.memref_slice %arg7[%dma_start3A_10] : memref<800xi32, #tpu.memory_space<vmem>> -> memref<400xi32, #tpu.memory_space<vmem>>
    %dma_start3A_12 = arith.constant 0 : i32
    %dma_start3A_13 = arith.constant 0 : i32
    %dma_start3A_14 = tpu.memref_slice %arg2[%arg0, %dma_start3A_12, %dma_start3A_13] : memref<2x50000x32xf32, #tpu.memory_space<hbm>> -> memref<1x50000x32xf32, #tpu.memory_space<hbm>>
    %dma_start3A_15 = tpu.memref_squeeze %dma_start3A_14 : memref<1x50000x32xf32, #tpu.memory_space<hbm>> -> memref<50000x32xf32, #tpu.memory_space<hbm>>
    %dma_start3A_16 = arith.constant 0 : i32
    %dma_start3A_17 = arith.constant 0 : i32
    %dma_start3A_18 = tpu.memref_slice %dma_start3A_15[%dma_start3A_16, %dma_start3A_17] : memref<50000x32xf32, #tpu.memory_space<hbm>> -> memref<50000x32xf32, #tpu.memory_space<hbm>>
    tpu.enqueue_indirect_dma source(%dma_start3A_18 : memref<50000x32xf32, #tpu.memory_space<hbm>>) target(%dma_start3A_9 : memref<400x32xf32, #tpu.memory_space<vmem>>) offsets(%dma_start3A_11 : memref<400xi32, #tpu.memory_space<vmem>>) semaphore(%arg11 : memref<!tpu.dma_semaphore, #tpu.memory_space<semaphore_mem>>)
    %dma_wait3A = arith.constant 0 : i32
    %dma_wait3A_19 = arith.constant 0 : i32
    %dma_wait3A_20 = tpu.memref_slice %arg9[%dma_wait3A, %dma_wait3A_19] : memref<800x32xf32, #tpu.memory_space<vmem>> -> memref<400x32xf32, #tpu.memory_space<vmem>>
    %dma_wait3A_21 = arith.constant 0 : i32
    %dma_wait3A_22 = tpu.memref_slice %arg7[%dma_wait3A_21] : memref<800xi32, #tpu.memory_space<vmem>> -> memref<400xi32, #tpu.memory_space<vmem>>
    %dma_wait3A_23 = arith.constant 0 : i32
    %dma_wait3A_24 = arith.constant 0 : i32
    %dma_wait3A_25 = tpu.memref_slice %arg2[%arg0, %dma_wait3A_23, %dma_wait3A_24] : memref<2x50000x32xf32, #tpu.memory_space<hbm>> -> memref<1x50000x32xf32, #tpu.memory_space<hbm>>
    %dma_wait3A_26 = tpu.memref_squeeze %dma_wait3A_25 : memref<1x50000x32xf32, #tpu.memory_space<hbm>> -> memref<50000x32xf32, #tpu.memory_space<hbm>>
    %dma_wait3A_27 = arith.constant 0 : i32
    %dma_wait3A_28 = arith.constant 0 : i32
    %dma_wait3A_29 = tpu.memref_slice %dma_wait3A_26[%dma_wait3A_27, %dma_wait3A_28] : memref<50000x32xf32, #tpu.memory_space<hbm>> -> memref<50000x32xf32, #tpu.memory_space<hbm>>
    tpu.wait_indirect_dma semaphore(%arg11 : memref<!tpu.dma_semaphore, #tpu.memory_space<semaphore_mem>>) src(%dma_wait3A_29 : memref<50000x32xf32, #tpu.memory_space<hbm>>) dst(%dma_wait3A_20 : memref<400x32xf32, #tpu.memory_space<vmem>>)
    "tpu.region"() ({
      %run_scoped3A = tpu.sem_alloc : memref<!tpu.dma_semaphore, #tpu.memory_space<semaphore_mem>>
      %dma_start3A_31 = arith.constant 0 : i32
      %dma_start3A_32 = arith.constant 0 : i32
      %dma_start3A_33 = tpu.memref_slice %arg9[%dma_start3A_31, %dma_start3A_32] : memref<800x32xf32, #tpu.memory_space<vmem>> -> memref<400x32xf32, #tpu.memory_space<vmem>>
      %dma_start3A_34 = arith.constant 0 : i32
      %dma_start3A_35 = tpu.memref_slice %arg8[%dma_start3A_34] : memref<800xi32, #tpu.memory_space<vmem>> -> memref<400xi32, #tpu.memory_space<vmem>>
      %dma_start3A_36 = arith.constant 0 : i32
      %dma_start3A_37 = arith.constant 0 : i32
      %dma_start3A_38 = tpu.memref_slice %arg10[%dma_start3A_36, %dma_start3A_37] : memref<50048x32xf32, #tpu.memory_space<vmem_shared>> -> memref<50048x32xf32, #tpu.memory_space<vmem_shared>>
      tpu.enqueue_indirect_dma source(%dma_start3A_33 : memref<400x32xf32, #tpu.memory_space<vmem>>) target(%dma_start3A_38 : memref<50048x32xf32, #tpu.memory_space<vmem_shared>>) offsets(%dma_start3A_35 : memref<400xi32, #tpu.memory_space<vmem>>) semaphore(%run_scoped3A : memref<!tpu.dma_semaphore, #tpu.memory_space<semaphore_mem>>) {add = true}
      %dma_wait3A_39 = arith.constant 0 : i32
      %dma_wait3A_40 = arith.constant 0 : i32
      %dma_wait3A_41 = tpu.memref_slice %arg9[%dma_wait3A_39, %dma_wait3A_40] : memref<800x32xf32, #tpu.memory_space<vmem>> -> memref<400x32xf32, #tpu.memory_space<vmem>>
      %dma_wait3A_42 = arith.constant 0 : i32
      %dma_wait3A_43 = tpu.memref_slice %arg8[%dma_wait3A_42] : memref<800xi32, #tpu.memory_space<vmem>> -> memref<400xi32, #tpu.memory_space<vmem>>
      %dma_wait3A_44 = arith.constant 0 : i32
      %dma_wait3A_45 = arith.constant 0 : i32
      %dma_wait3A_46 = tpu.memref_slice %arg10[%dma_wait3A_44, %dma_wait3A_45] : memref<50048x32xf32, #tpu.memory_space<vmem_shared>> -> memref<50048x32xf32, #tpu.memory_space<vmem_shared>>
      tpu.wait_indirect_dma semaphore(%run_scoped3A : memref<!tpu.dma_semaphore, #tpu.memory_space<semaphore_mem>>) src(%dma_wait3A_41 : memref<400x32xf32, #tpu.memory_space<vmem>>) dst(%dma_wait3A_46 : memref<50048x32xf32, #tpu.memory_space<vmem_shared>>)
      tpu.yield
    }) : () -> ()
    %barrier3A_30 = arith.constant 0 : index
    tpu.barrier barrier_id(%barrier3A_30)
    "tpu.region"() ({
      %run_scoped3A = tpu.sem_alloc : memref<!tpu.dma_semaphore, #tpu.memory_space<semaphore_mem>>
      %dma_start3A_31 = arith.constant 0 : i32
      %dma_start3A_32 = arith.constant 0 : i32
      %dma_start3A_33 = tpu.memref_slice %arg6[%arg0, %dma_start3A_31, %dma_start3A_32] : memref<2x50048x32xf32, #tpu.memory_space<hbm>> -> memref<1x50048x32xf32, #tpu.memory_space<hbm>>
      %dma_start3A_34 = tpu.memref_squeeze %dma_start3A_33 : memref<1x50048x32xf32, #tpu.memory_space<hbm>> -> memref<50048x32xf32, #tpu.memory_space<hbm>>
      %dma_start3A_35 = arith.constant 0 : i32
      %dma_start3A_36 = tpu.memref_slice %dma_start3A_34[%mul3A_0, %dma_start3A_35] : memref<50048x32xf32, #tpu.memory_space<hbm>> -> memref<3128x32xf32, #tpu.memory_space<hbm>>
      %dma_start3A_37 = arith.constant 0 : i32
      %dma_start3A_38 = tpu.memref_slice %arg10[%mul3A_0, %dma_start3A_37] : memref<50048x32xf32, #tpu.memory_space<vmem_shared>> -> memref<3128x32xf32, #tpu.memory_space<vmem_shared>>
      tpu.enqueue_dma source(%dma_start3A_38 : memref<3128x32xf32, #tpu.memory_space<vmem_shared>>) target(%dma_start3A_36 : memref<3128x32xf32, #tpu.memory_space<hbm>>) target_semaphore(%run_scoped3A : memref<!tpu.dma_semaphore, #tpu.memory_space<semaphore_mem>>)
      %dma_wait3A_39 = arith.constant 0 : i32
      %dma_wait3A_40 = arith.constant 0 : i32
      %dma_wait3A_41 = tpu.memref_slice %arg6[%arg0, %dma_wait3A_39, %dma_wait3A_40] : memref<2x50048x32xf32, #tpu.memory_space<hbm>> -> memref<1x50048x32xf32, #tpu.memory_space<hbm>>
      %dma_wait3A_42 = tpu.memref_squeeze %dma_wait3A_41 : memref<1x50048x32xf32, #tpu.memory_space<hbm>> -> memref<50048x32xf32, #tpu.memory_space<hbm>>
      %dma_wait3A_43 = arith.constant 0 : i32
      %dma_wait3A_44 = tpu.memref_slice %dma_wait3A_42[%mul3A_0, %dma_wait3A_43] : memref<50048x32xf32, #tpu.memory_space<hbm>> -> memref<3128x32xf32, #tpu.memory_space<hbm>>
      %dma_wait3A_45 = arith.constant 0 : i32
      %dma_wait3A_46 = tpu.memref_slice %arg10[%mul3A_0, %dma_wait3A_45] : memref<50048x32xf32, #tpu.memory_space<vmem_shared>> -> memref<3128x32xf32, #tpu.memory_space<vmem_shared>>
      tpu.wait_dma2 semaphore(%run_scoped3A : memref<!tpu.dma_semaphore, #tpu.memory_space<semaphore_mem>>) src(%dma_wait3A_46 : memref<3128x32xf32, #tpu.memory_space<vmem_shared>>) dst(%dma_wait3A_44 : memref<3128x32xf32, #tpu.memory_space<hbm>>)
      tpu.yield
    }) : () -> ()
    return
  }
}

#map = affine_map<(d0, d1) -> (0, 0, 0)>
#map1 = affine_map<(d0, d1) -> (0)>
#map2 = affine_map<(d0, d1) -> (0, 0)>
module attributes {stable_mosaic.version = 14 : i64} {
  func.func @_seg_sum(%arg0: i32, %arg1: i32, %arg2: memref<2x50000x32xf32, #tpu.memory_space<hbm>>, %arg3: memref<800000xi32, #tpu.memory_space<hbm>>, %arg4: memref<800000xi32, #tpu.memory_space<hbm>>, %arg5: memref<3128x32xf32, #tpu.memory_space<hbm>>, %arg6: memref<2x50048x32xf32, #tpu.memory_space<hbm>>, %arg7: memref<800xi32, #tpu.memory_space<vmem>>, %arg8: memref<800xi32, #tpu.memory_space<vmem>>, %arg9: memref<800x32xf32, #tpu.memory_space<vmem>>, %arg10: memref<50048x32xf32, #tpu.memory_space<vmem_shared>>, %arg11: memref<!tpu.dma_semaphore, #tpu.memory_space<semaphore_mem>>) attributes {dimension_semantics = [#tpu.dimension_semantics<core_parallel>, #tpu.dimension_semantics<subcore_parallel>], iteration_bounds = array<i64: 2, 16>, scalar_prefetch = 0 : i64, scratch_operands = 5 : i64, tpu.core_type = #tpu.core_type<sc_vector_subcore>, window_params = [{transform_indices = #map}, {transform_indices = #map1}, {transform_indices = #map1}, {transform_indices = #map2}, {transform_indices = #map}]} {
    %mul3A = arith.constant 3128 : i32
    %mul3A_0 = arith.muli %arg1, %mul3A : i32
    "tpu.region"() ({
      %run_scoped3A = tpu.sem_alloc : memref<!tpu.dma_semaphore, #tpu.memory_space<semaphore_mem>>
      %dma_start3A_31 = arith.constant 0 : i32
      %dma_start3A_32 = tpu.memref_slice %arg10[%mul3A_0, %dma_start3A_31] : memref<50048x32xf32, #tpu.memory_space<vmem_shared>> -> memref<3128x32xf32, #tpu.memory_space<vmem_shared>>
      tpu.enqueue_dma source(%arg5 : memref<3128x32xf32, #tpu.memory_space<hbm>>) target(%dma_start3A_32 : memref<3128x32xf32, #tpu.memory_space<vmem_shared>>) target_semaphore(%run_scoped3A : memref<!tpu.dma_semaphore, #tpu.memory_space<semaphore_mem>>)
      %dma_wait3A_33 = arith.constant 0 : i32
      %dma_wait3A_34 = tpu.memref_slice %arg10[%mul3A_0, %dma_wait3A_33] : memref<50048x32xf32, #tpu.memory_space<vmem_shared>> -> memref<3128x32xf32, #tpu.memory_space<vmem_shared>>
      tpu.wait_dma2 semaphore(%run_scoped3A : memref<!tpu.dma_semaphore, #tpu.memory_space<semaphore_mem>>) src(%arg5 : memref<3128x32xf32, #tpu.memory_space<hbm>>) dst(%dma_wait3A_34 : memref<3128x32xf32, #tpu.memory_space<vmem_shared>>)
      tpu.yield
    }) : () -> ()
    %barrier3A = arith.constant 0 : index
    tpu.barrier barrier_id(%barrier3A)
    %mul3A_1 = arith.constant 50000 : i32
    %mul3A_2 = arith.muli %arg1, %mul3A_1 : i32
    %multiple_of3A = tpu.assume_multiple %mul3A_2, 8 : i32
    %scan3A = arith.constant 0 : i32
    %scan3A_3 = arith.constant 62 : i32
    %scan3A_4 = arith.addi %scan3A, %scan3A_3 : i32
    %scan3A_5 = arith.constant 1 : i32
    scf.for %scan3A_31 = %scan3A to %scan3A_4 step %scan3A_5  : i32 {
      %mul3A_32 = arith.constant 1 : i32
      %mul3A_33 = arith.muli %scan3A_31, %mul3A_32 : i32
      %add3A_34 = arith.constant 0 : i32
      %add3A_35 = arith.addi %add3A_34, %mul3A_33 : i32
      %mul3A_36 = arith.constant 800 : i32
      %mul3A_37 = arith.muli %add3A_35, %mul3A_36 : i32
      %add3A_38 = arith.addi %multiple_of3A, %mul3A_37 : i32
      "tpu.region"() ({
        %run_scoped3A = tpu.sem_alloc : memref<!tpu.dma_semaphore, #tpu.memory_space<semaphore_mem>>
        %dma_start3A_63 = arith.constant 0 : i32
        %dma_start3A_64 = tpu.memref_slice %arg7[%dma_start3A_63] : memref<800xi32, #tpu.memory_space<vmem>> -> memref<800xi32, #tpu.memory_space<vmem>>
        %dma_start3A_65 = tpu.memref_slice %arg3[%add3A_38] : memref<800000xi32, #tpu.memory_space<hbm>> -> memref<800xi32, #tpu.memory_space<hbm>>
        %dma_start3A_66 = arith.constant 0 : i32
        %dma_start3A_67 = tpu.memref_slice %arg7[%dma_start3A_66] : memref<800xi32, #tpu.memory_space<vmem>> -> memref<800xi32, #tpu.memory_space<vmem>>
        %dma_start3A_68 = tpu.memref_slice %arg3[%add3A_38] : memref<800000xi32, #tpu.memory_space<hbm>> -> memref<800xi32, #tpu.memory_space<hbm>>
        tpu.enqueue_dma source(%dma_start3A_68 : memref<800xi32, #tpu.memory_space<hbm>>) target(%dma_start3A_67 : memref<800xi32, #tpu.memory_space<vmem>>) target_semaphore(%run_scoped3A : memref<!tpu.dma_semaphore, #tpu.memory_space<semaphore_mem>>)
        %dma_wait3A_69 = arith.constant 0 : i32
        %dma_wait3A_70 = tpu.memref_slice %arg7[%dma_wait3A_69] : memref<800xi32, #tpu.memory_space<vmem>> -> memref<800xi32, #tpu.memory_space<vmem>>
        %dma_wait3A_71 = tpu.memref_slice %arg3[%add3A_38] : memref<800000xi32, #tpu.memory_space<hbm>> -> memref<800xi32, #tpu.memory_space<hbm>>
        %dma_wait3A_72 = arith.constant 0 : i32
        %dma_wait3A_73 = tpu.memref_slice %arg7[%dma_wait3A_72] : memref<800xi32, #tpu.memory_space<vmem>> -> memref<800xi32, #tpu.memory_space<vmem>>
        %dma_wait3A_74 = tpu.memref_slice %arg3[%add3A_38] : memref<800000xi32, #tpu.memory_space<hbm>> -> memref<800xi32, #tpu.memory_space<hbm>>
        tpu.wait_dma2 semaphore(%run_scoped3A : memref<!tpu.dma_semaphore, #tpu.memory_space<semaphore_mem>>) src(%dma_wait3A_74 : memref<800xi32, #tpu.memory_space<hbm>>) dst(%dma_wait3A_73 : memref<800xi32, #tpu.memory_space<vmem>>)
        tpu.yield
      }) : () -> ()
      "tpu.region"() ({
        %run_scoped3A = tpu.sem_alloc : memref<!tpu.dma_semaphore, #tpu.memory_space<semaphore_mem>>
        %dma_start3A_63 = arith.constant 0 : i32
        %dma_start3A_64 = tpu.memref_slice %arg8[%dma_start3A_63] : memref<800xi32, #tpu.memory_space<vmem>> -> memref<800xi32, #tpu.memory_space<vmem>>
        %dma_start3A_65 = tpu.memref_slice %arg4[%add3A_38] : memref<800000xi32, #tpu.memory_space<hbm>> -> memref<800xi32, #tpu.memory_space<hbm>>
        %dma_start3A_66 = arith.constant 0 : i32
        %dma_start3A_67 = tpu.memref_slice %arg8[%dma_start3A_66] : memref<800xi32, #tpu.memory_space<vmem>> -> memref<800xi32, #tpu.memory_space<vmem>>
        %dma_start3A_68 = tpu.memref_slice %arg4[%add3A_38] : memref<800000xi32, #tpu.memory_space<hbm>> -> memref<800xi32, #tpu.memory_space<hbm>>
        tpu.enqueue_dma source(%dma_start3A_68 : memref<800xi32, #tpu.memory_space<hbm>>) target(%dma_start3A_67 : memref<800xi32, #tpu.memory_space<vmem>>) target_semaphore(%run_scoped3A : memref<!tpu.dma_semaphore, #tpu.memory_space<semaphore_mem>>)
        %dma_wait3A_69 = arith.constant 0 : i32
        %dma_wait3A_70 = tpu.memref_slice %arg8[%dma_wait3A_69] : memref<800xi32, #tpu.memory_space<vmem>> -> memref<800xi32, #tpu.memory_space<vmem>>
        %dma_wait3A_71 = tpu.memref_slice %arg4[%add3A_38] : memref<800000xi32, #tpu.memory_space<hbm>> -> memref<800xi32, #tpu.memory_space<hbm>>
        %dma_wait3A_72 = arith.constant 0 : i32
        %dma_wait3A_73 = tpu.memref_slice %arg8[%dma_wait3A_72] : memref<800xi32, #tpu.memory_space<vmem>> -> memref<800xi32, #tpu.memory_space<vmem>>
        %dma_wait3A_74 = tpu.memref_slice %arg4[%add3A_38] : memref<800000xi32, #tpu.memory_space<hbm>> -> memref<800xi32, #tpu.memory_space<hbm>>
        tpu.wait_dma2 semaphore(%run_scoped3A : memref<!tpu.dma_semaphore, #tpu.memory_space<semaphore_mem>>) src(%dma_wait3A_74 : memref<800xi32, #tpu.memory_space<hbm>>) dst(%dma_wait3A_73 : memref<800xi32, #tpu.memory_space<vmem>>)
        tpu.yield
      }) : () -> ()
      %dma_start3A_39 = arith.constant 0 : i32
      %dma_start3A_40 = arith.constant 0 : i32
      %dma_start3A_41 = tpu.memref_slice %arg9[%dma_start3A_39, %dma_start3A_40] : memref<800x32xf32, #tpu.memory_space<vmem>> -> memref<800x32xf32, #tpu.memory_space<vmem>>
      %dma_start3A_42 = arith.constant 0 : i32
      %dma_start3A_43 = tpu.memref_slice %arg7[%dma_start3A_42] : memref<800xi32, #tpu.memory_space<vmem>> -> memref<800xi32, #tpu.memory_space<vmem>>
      %dma_start3A_44 = arith.constant 0 : i32
      %dma_start3A_45 = arith.constant 0 : i32
      %dma_start3A_46 = tpu.memref_slice %arg2[%arg0, %dma_start3A_44, %dma_start3A_45] : memref<2x50000x32xf32, #tpu.memory_space<hbm>> -> memref<1x50000x32xf32, #tpu.memory_space<hbm>>
      %dma_start3A_47 = tpu.memref_squeeze %dma_start3A_46 : memref<1x50000x32xf32, #tpu.memory_space<hbm>> -> memref<50000x32xf32, #tpu.memory_space<hbm>>
      %dma_start3A_48 = arith.constant 0 : i32
      %dma_start3A_49 = arith.constant 0 : i32
      %dma_start3A_50 = tpu.memref_slice %dma_start3A_47[%dma_start3A_48, %dma_start3A_49] : memref<50000x32xf32, #tpu.memory_space<hbm>> -> memref<50000x32xf32, #tpu.memory_space<hbm>>
      tpu.enqueue_indirect_dma source(%dma_start3A_50 : memref<50000x32xf32, #tpu.memory_space<hbm>>) target(%dma_start3A_41 : memref<800x32xf32, #tpu.memory_space<vmem>>) offsets(%dma_start3A_43 : memref<800xi32, #tpu.memory_space<vmem>>) semaphore(%arg11 : memref<!tpu.dma_semaphore, #tpu.memory_space<semaphore_mem>>)
      %dma_wait3A_51 = arith.constant 0 : i32
      %dma_wait3A_52 = arith.constant 0 : i32
      %dma_wait3A_53 = tpu.memref_slice %arg9[%dma_wait3A_51, %dma_wait3A_52] : memref<800x32xf32, #tpu.memory_space<vmem>> -> memref<800x32xf32, #tpu.memory_space<vmem>>
      %dma_wait3A_54 = arith.constant 0 : i32
      %dma_wait3A_55 = tpu.memref_slice %arg7[%dma_wait3A_54] : memref<800xi32, #tpu.memory_space<vmem>> -> memref<800xi32, #tpu.memory_space<vmem>>
      %dma_wait3A_56 = arith.constant 0 : i32
      %dma_wait3A_57 = arith.constant 0 : i32
      %dma_wait3A_58 = tpu.memref_slice %arg2[%arg0, %dma_wait3A_56, %dma_wait3A_57] : memref<2x50000x32xf32, #tpu.memory_space<hbm>> -> memref<1x50000x32xf32, #tpu.memory_space<hbm>>
      %dma_wait3A_59 = tpu.memref_squeeze %dma_wait3A_58 : memref<1x50000x32xf32, #tpu.memory_space<hbm>> -> memref<50000x32xf32, #tpu.memory_space<hbm>>
      %dma_wait3A_60 = arith.constant 0 : i32
      %dma_wait3A_61 = arith.constant 0 : i32
      %dma_wait3A_62 = tpu.memref_slice %dma_wait3A_59[%dma_wait3A_60, %dma_wait3A_61] : memref<50000x32xf32, #tpu.memory_space<hbm>> -> memref<50000x32xf32, #tpu.memory_space<hbm>>
      tpu.wait_indirect_dma semaphore(%arg11 : memref<!tpu.dma_semaphore, #tpu.memory_space<semaphore_mem>>) src(%dma_wait3A_62 : memref<50000x32xf32, #tpu.memory_space<hbm>>) dst(%dma_wait3A_53 : memref<800x32xf32, #tpu.memory_space<vmem>>)
      "tpu.region"() ({
        %run_scoped3A = tpu.sem_alloc : memref<!tpu.dma_semaphore, #tpu.memory_space<semaphore_mem>>
        %dma_start3A_63 = arith.constant 0 : i32
        %dma_start3A_64 = arith.constant 0 : i32
        %dma_start3A_65 = tpu.memref_slice %arg9[%dma_start3A_63, %dma_start3A_64] : memref<800x32xf32, #tpu.memory_space<vmem>> -> memref<800x32xf32, #tpu.memory_space<vmem>>
        %dma_start3A_66 = arith.constant 0 : i32
        %dma_start3A_67 = tpu.memref_slice %arg8[%dma_start3A_66] : memref<800xi32, #tpu.memory_space<vmem>> -> memref<800xi32, #tpu.memory_space<vmem>>
        %dma_start3A_68 = arith.constant 0 : i32
        %dma_start3A_69 = arith.constant 0 : i32
        %dma_start3A_70 = tpu.memref_slice %arg10[%dma_start3A_68, %dma_start3A_69] : memref<50048x32xf32, #tpu.memory_space<vmem_shared>> -> memref<50048x32xf32, #tpu.memory_space<vmem_shared>>
        tpu.enqueue_indirect_dma source(%dma_start3A_65 : memref<800x32xf32, #tpu.memory_space<vmem>>) target(%dma_start3A_70 : memref<50048x32xf32, #tpu.memory_space<vmem_shared>>) offsets(%dma_start3A_67 : memref<800xi32, #tpu.memory_space<vmem>>) semaphore(%run_scoped3A : memref<!tpu.dma_semaphore, #tpu.memory_space<semaphore_mem>>) {add = true}
        %dma_wait3A_71 = arith.constant 0 : i32
        %dma_wait3A_72 = arith.constant 0 : i32
        %dma_wait3A_73 = tpu.memref_slice %arg9[%dma_wait3A_71, %dma_wait3A_72] : memref<800x32xf32, #tpu.memory_space<vmem>> -> memref<800x32xf32, #tpu.memory_space<vmem>>
        %dma_wait3A_74 = arith.constant 0 : i32
        %dma_wait3A_75 = tpu.memref_slice %arg8[%dma_wait3A_74] : memref<800xi32, #tpu.memory_space<vmem>> -> memref<800xi32, #tpu.memory_space<vmem>>
        %dma_wait3A_76 = arith.constant 0 : i32
        %dma_wait3A_77 = arith.constant 0 : i32
        %dma_wait3A_78 = tpu.memref_slice %arg10[%dma_wait3A_76, %dma_wait3A_77] : memref<50048x32xf32, #tpu.memory_space<vmem_shared>> -> memref<50048x32xf32, #tpu.memory_space<vmem_shared>>
        tpu.wait_indirect_dma semaphore(%run_scoped3A : memref<!tpu.dma_semaphore, #tpu.memory_space<semaphore_mem>>) src(%dma_wait3A_73 : memref<800x32xf32, #tpu.memory_space<vmem>>) dst(%dma_wait3A_78 : memref<50048x32xf32, #tpu.memory_space<vmem_shared>>)
        tpu.yield
      }) : () -> ()
    }
    %scan3A_6 = arith.constant 62 : i32
    %add3A = arith.constant 49600 : i32
    %add3A_7 = arith.addi %multiple_of3A, %add3A : i32
    "tpu.region"() ({
      %run_scoped3A = tpu.sem_alloc : memref<!tpu.dma_semaphore, #tpu.memory_space<semaphore_mem>>
      %dma_start3A_31 = arith.constant 0 : i32
      %dma_start3A_32 = tpu.memref_slice %arg7[%dma_start3A_31] : memref<800xi32, #tpu.memory_space<vmem>> -> memref<400xi32, #tpu.memory_space<vmem>>
      %dma_start3A_33 = tpu.memref_slice %arg3[%add3A_7] : memref<800000xi32, #tpu.memory_space<hbm>> -> memref<400xi32, #tpu.memory_space<hbm>>
      %dma_start3A_34 = arith.constant 0 : i32
      %dma_start3A_35 = tpu.memref_slice %arg7[%dma_start3A_34] : memref<800xi32, #tpu.memory_space<vmem>> -> memref<400xi32, #tpu.memory_space<vmem>>
      %dma_start3A_36 = tpu.memref_slice %arg3[%add3A_7] : memref<800000xi32, #tpu.memory_space<hbm>> -> memref<400xi32, #tpu.memory_space<hbm>>
      tpu.enqueue_dma source(%dma_start3A_36 : memref<400xi32, #tpu.memory_space<hbm>>) target(%dma_start3A_35 : memref<400xi32, #tpu.memory_space<vmem>>) target_semaphore(%run_scoped3A : memref<!tpu.dma_semaphore, #tpu.memory_space<semaphore_mem>>)
      %dma_wait3A_37 = arith.constant 0 : i32
      %dma_wait3A_38 = tpu.memref_slice %arg7[%dma_wait3A_37] : memref<800xi32, #tpu.memory_space<vmem>> -> memref<400xi32, #tpu.memory_space<vmem>>
      %dma_wait3A_39 = tpu.memref_slice %arg3[%add3A_7] : memref<800000xi32, #tpu.memory_space<hbm>> -> memref<400xi32, #tpu.memory_space<hbm>>
      %dma_wait3A_40 = arith.constant 0 : i32
      %dma_wait3A_41 = tpu.memref_slice %arg7[%dma_wait3A_40] : memref<800xi32, #tpu.memory_space<vmem>> -> memref<400xi32, #tpu.memory_space<vmem>>
      %dma_wait3A_42 = tpu.memref_slice %arg3[%add3A_7] : memref<800000xi32, #tpu.memory_space<hbm>> -> memref<400xi32, #tpu.memory_space<hbm>>
      tpu.wait_dma2 semaphore(%run_scoped3A : memref<!tpu.dma_semaphore, #tpu.memory_space<semaphore_mem>>) src(%dma_wait3A_42 : memref<400xi32, #tpu.memory_space<hbm>>) dst(%dma_wait3A_41 : memref<400xi32, #tpu.memory_space<vmem>>)
      tpu.yield
    }) : () -> ()
    "tpu.region"() ({
      %run_scoped3A = tpu.sem_alloc : memref<!tpu.dma_semaphore, #tpu.memory_space<semaphore_mem>>
      %dma_start3A_31 = arith.constant 0 : i32
      %dma_start3A_32 = tpu.memref_slice %arg8[%dma_start3A_31] : memref<800xi32, #tpu.memory_space<vmem>> -> memref<400xi32, #tpu.memory_space<vmem>>
      %dma_start3A_33 = tpu.memref_slice %arg4[%add3A_7] : memref<800000xi32, #tpu.memory_space<hbm>> -> memref<400xi32, #tpu.memory_space<hbm>>
      %dma_start3A_34 = arith.constant 0 : i32
      %dma_start3A_35 = tpu.memref_slice %arg8[%dma_start3A_34] : memref<800xi32, #tpu.memory_space<vmem>> -> memref<400xi32, #tpu.memory_space<vmem>>
      %dma_start3A_36 = tpu.memref_slice %arg4[%add3A_7] : memref<800000xi32, #tpu.memory_space<hbm>> -> memref<400xi32, #tpu.memory_space<hbm>>
      tpu.enqueue_dma source(%dma_start3A_36 : memref<400xi32, #tpu.memory_space<hbm>>) target(%dma_start3A_35 : memref<400xi32, #tpu.memory_space<vmem>>) target_semaphore(%run_scoped3A : memref<!tpu.dma_semaphore, #tpu.memory_space<semaphore_mem>>)
      %dma_wait3A_37 = arith.constant 0 : i32
      %dma_wait3A_38 = tpu.memref_slice %arg8[%dma_wait3A_37] : memref<800xi32, #tpu.memory_space<vmem>> -> memref<400xi32, #tpu.memory_space<vmem>>
      %dma_wait3A_39 = tpu.memref_slice %arg4[%add3A_7] : memref<800000xi32, #tpu.memory_space<hbm>> -> memref<400xi32, #tpu.memory_space<hbm>>
      %dma_wait3A_40 = arith.constant 0 : i32
      %dma_wait3A_41 = tpu.memref_slice %arg8[%dma_wait3A_40] : memref<800xi32, #tpu.memory_space<vmem>> -> memref<400xi32, #tpu.memory_space<vmem>>
      %dma_wait3A_42 = tpu.memref_slice %arg4[%add3A_7] : memref<800000xi32, #tpu.memory_space<hbm>> -> memref<400xi32, #tpu.memory_space<hbm>>
      tpu.wait_dma2 semaphore(%run_scoped3A : memref<!tpu.dma_semaphore, #tpu.memory_space<semaphore_mem>>) src(%dma_wait3A_42 : memref<400xi32, #tpu.memory_space<hbm>>) dst(%dma_wait3A_41 : memref<400xi32, #tpu.memory_space<vmem>>)
      tpu.yield
    }) : () -> ()
    %dma_start3A = arith.constant 0 : i32
    %dma_start3A_8 = arith.constant 0 : i32
    %dma_start3A_9 = tpu.memref_slice %arg9[%dma_start3A, %dma_start3A_8] : memref<800x32xf32, #tpu.memory_space<vmem>> -> memref<400x32xf32, #tpu.memory_space<vmem>>
    %dma_start3A_10 = arith.constant 0 : i32
    %dma_start3A_11 = tpu.memref_slice %arg7[%dma_start3A_10] : memref<800xi32, #tpu.memory_space<vmem>> -> memref<400xi32, #tpu.memory_space<vmem>>
    %dma_start3A_12 = arith.constant 0 : i32
    %dma_start3A_13 = arith.constant 0 : i32
    %dma_start3A_14 = tpu.memref_slice %arg2[%arg0, %dma_start3A_12, %dma_start3A_13] : memref<2x50000x32xf32, #tpu.memory_space<hbm>> -> memref<1x50000x32xf32, #tpu.memory_space<hbm>>
    %dma_start3A_15 = tpu.memref_squeeze %dma_start3A_14 : memref<1x50000x32xf32, #tpu.memory_space<hbm>> -> memref<50000x32xf32, #tpu.memory_space<hbm>>
    %dma_start3A_16 = arith.constant 0 : i32
    %dma_start3A_17 = arith.constant 0 : i32
    %dma_start3A_18 = tpu.memref_slice %dma_start3A_15[%dma_start3A_16, %dma_start3A_17] : memref<50000x32xf32, #tpu.memory_space<hbm>> -> memref<50000x32xf32, #tpu.memory_space<hbm>>
    tpu.enqueue_indirect_dma source(%dma_start3A_18 : memref<50000x32xf32, #tpu.memory_space<hbm>>) target(%dma_start3A_9 : memref<400x32xf32, #tpu.memory_space<vmem>>) offsets(%dma_start3A_11 : memref<400xi32, #tpu.memory_space<vmem>>) semaphore(%arg11 : memref<!tpu.dma_semaphore, #tpu.memory_space<semaphore_mem>>)
    %dma_wait3A = arith.constant 0 : i32
    %dma_wait3A_19 = arith.constant 0 : i32
    %dma_wait3A_20 = tpu.memref_slice %arg9[%dma_wait3A, %dma_wait3A_19] : memref<800x32xf32, #tpu.memory_space<vmem>> -> memref<400x32xf32, #tpu.memory_space<vmem>>
    %dma_wait3A_21 = arith.constant 0 : i32
    %dma_wait3A_22 = tpu.memref_slice %arg7[%dma_wait3A_21] : memref<800xi32, #tpu.memory_space<vmem>> -> memref<400xi32, #tpu.memory_space<vmem>>
    %dma_wait3A_23 = arith.constant 0 : i32
    %dma_wait3A_24 = arith.constant 0 : i32
    %dma_wait3A_25 = tpu.memref_slice %arg2[%arg0, %dma_wait3A_23, %dma_wait3A_24] : memref<2x50000x32xf32, #tpu.memory_space<hbm>> -> memref<1x50000x32xf32, #tpu.memory_space<hbm>>
    %dma_wait3A_26 = tpu.memref_squeeze %dma_wait3A_25 : memref<1x50000x32xf32, #tpu.memory_space<hbm>> -> memref<50000x32xf32, #tpu.memory_space<hbm>>
    %dma_wait3A_27 = arith.constant 0 : i32
    %dma_wait3A_28 = arith.constant 0 : i32
    %dma_wait3A_29 = tpu.memref_slice %dma_wait3A_26[%dma_wait3A_27, %dma_wait3A_28] : memref<50000x32xf32, #tpu.memory_space<hbm>> -> memref<50000x32xf32, #tpu.memory_space<hbm>>
    tpu.wait_indirect_dma semaphore(%arg11 : memref<!tpu.dma_semaphore, #tpu.memory_space<semaphore_mem>>) src(%dma_wait3A_29 : memref<50000x32xf32, #tpu.memory_space<hbm>>) dst(%dma_wait3A_20 : memref<400x32xf32, #tpu.memory_space<vmem>>)
    "tpu.region"() ({
      %run_scoped3A = tpu.sem_alloc : memref<!tpu.dma_semaphore, #tpu.memory_space<semaphore_mem>>
      %dma_start3A_31 = arith.constant 0 : i32
      %dma_start3A_32 = arith.constant 0 : i32
      %dma_start3A_33 = tpu.memref_slice %arg9[%dma_start3A_31, %dma_start3A_32] : memref<800x32xf32, #tpu.memory_space<vmem>> -> memref<400x32xf32, #tpu.memory_space<vmem>>
      %dma_start3A_34 = arith.constant 0 : i32
      %dma_start3A_35 = tpu.memref_slice %arg8[%dma_start3A_34] : memref<800xi32, #tpu.memory_space<vmem>> -> memref<400xi32, #tpu.memory_space<vmem>>
      %dma_start3A_36 = arith.constant 0 : i32
      %dma_start3A_37 = arith.constant 0 : i32
      %dma_start3A_38 = tpu.memref_slice %arg10[%dma_start3A_36, %dma_start3A_37] : memref<50048x32xf32, #tpu.memory_space<vmem_shared>> -> memref<50048x32xf32, #tpu.memory_space<vmem_shared>>
      tpu.enqueue_indirect_dma source(%dma_start3A_33 : memref<400x32xf32, #tpu.memory_space<vmem>>) target(%dma_start3A_38 : memref<50048x32xf32, #tpu.memory_space<vmem_shared>>) offsets(%dma_start3A_35 : memref<400xi32, #tpu.memory_space<vmem>>) semaphore(%run_scoped3A : memref<!tpu.dma_semaphore, #tpu.memory_space<semaphore_mem>>) {add = true}
      %dma_wait3A_39 = arith.constant 0 : i32
      %dma_wait3A_40 = arith.constant 0 : i32
      %dma_wait3A_41 = tpu.memref_slice %arg9[%dma_wait3A_39, %dma_wait3A_40] : memref<800x32xf32, #tpu.memory_space<vmem>> -> memref<400x32xf32, #tpu.memory_space<vmem>>
      %dma_wait3A_42 = arith.constant 0 : i32
      %dma_wait3A_43 = tpu.memref_slice %arg8[%dma_wait3A_42] : memref<800xi32, #tpu.memory_space<vmem>> -> memref<400xi32, #tpu.memory_space<vmem>>
      %dma_wait3A_44 = arith.constant 0 : i32
      %dma_wait3A_45 = arith.constant 0 : i32
      %dma_wait3A_46 = tpu.memref_slice %arg10[%dma_wait3A_44, %dma_wait3A_45] : memref<50048x32xf32, #tpu.memory_space<vmem_shared>> -> memref<50048x32xf32, #tpu.memory_space<vmem_shared>>
      tpu.wait_indirect_dma semaphore(%run_scoped3A : memref<!tpu.dma_semaphore, #tpu.memory_space<semaphore_mem>>) src(%dma_wait3A_41 : memref<400x32xf32, #tpu.memory_space<vmem>>) dst(%dma_wait3A_46 : memref<50048x32xf32, #tpu.memory_space<vmem_shared>>)
      tpu.yield
    }) : () -> ()
    %barrier3A_30 = arith.constant 0 : index
    tpu.barrier barrier_id(%barrier3A_30)
    "tpu.region"() ({
      %run_scoped3A = tpu.sem_alloc : memref<!tpu.dma_semaphore, #tpu.memory_space<semaphore_mem>>
      %dma_start3A_31 = arith.constant 0 : i32
      %dma_start3A_32 = arith.constant 0 : i32
      %dma_start3A_33 = tpu.memref_slice %arg6[%arg0, %dma_start3A_31, %dma_start3A_32] : memref<2x50048x32xf32, #tpu.memory_space<hbm>> -> memref<1x50048x32xf32, #tpu.memory_space<hbm>>
      %dma_start3A_34 = tpu.memref_squeeze %dma_start3A_33 : memref<1x50048x32xf32, #tpu.memory_space<hbm>> -> memref<50048x32xf32, #tpu.memory_space<hbm>>
      %dma_start3A_35 = arith.constant 0 : i32
      %dma_start3A_36 = tpu.memref_slice %dma_start3A_34[%mul3A_0, %dma_start3A_35] : memref<50048x32xf32, #tpu.memory_space<hbm>> -> memref<3128x32xf32, #tpu.memory_space<hbm>>
      %dma_start3A_37 = arith.constant 0 : i32
      %dma_start3A_38 = tpu.memref_slice %arg10[%mul3A_0, %dma_start3A_37] : memref<50048x32xf32, #tpu.memory_space<vmem_shared>> -> memref<3128x32xf32, #tpu.memory_space<vmem_shared>>
      tpu.enqueue_dma source(%dma_start3A_38 : memref<3128x32xf32, #tpu.memory_space<vmem_shared>>) target(%dma_start3A_36 : memref<3128x32xf32, #tpu.memory_space<hbm>>) target_semaphore(%run_scoped3A : memref<!tpu.dma_semaphore, #tpu.memory_space<semaphore_mem>>)
      %dma_wait3A_39 = arith.constant 0 : i32
      %dma_wait3A_40 = arith.constant 0 : i32
      %dma_wait3A_41 = tpu.memref_slice %arg6[%arg0, %dma_wait3A_39, %dma_wait3A_40] : memref<2x50048x32xf32, #tpu.memory_space<hbm>> -> memref<1x50048x32xf32, #tpu.memory_space<hbm>>
      %dma_wait3A_42 = tpu.memref_squeeze %dma_wait3A_41 : memref<1x50048x32xf32, #tpu.memory_space<hbm>> -> memref<50048x32xf32, #tpu.memory_space<hbm>>
      %dma_wait3A_43 = arith.constant 0 : i32
      %dma_wait3A_44 = tpu.memref_slice %dma_wait3A_42[%mul3A_0, %dma_wait3A_43] : memref<50048x32xf32, #tpu.memory_space<hbm>> -> memref<3128x32xf32, #tpu.memory_space<hbm>>
      %dma_wait3A_45 = arith.constant 0 : i32
      %dma_wait3A_46 = tpu.memref_slice %arg10[%mul3A_0, %dma_wait3A_45] : memref<50048x32xf32, #tpu.memory_space<vmem_shared>> -> memref<3128x32xf32, #tpu.memory_space<vmem_shared>>
      tpu.wait_dma2 semaphore(%run_scoped3A : memref<!tpu.dma_semaphore, #tpu.memory_space<semaphore_mem>>) src(%dma_wait3A_46 : memref<3128x32xf32, #tpu.memory_space<vmem_shared>>) dst(%dma_wait3A_44 : memref<3128x32xf32, #tpu.memory_space<hbm>>)
      tpu.yield
    }) : () -> ()
    return
  }
}

module attributes {stable_mosaic.version = 14 : i64} {
  func.func @_gmm_body(%arg0: i32, %arg1: memref<1000x64xf32, #tpu.memory_space<vmem>>, %arg2: memref<64x64xf32, #tpu.memory_space<vmem>>, %arg3: memref<1000x1xf32, #tpu.memory_space<vmem>>, %arg4: memref<2x1000x32xf32, #tpu.memory_space<vmem>>) attributes {dimension_semantics = [#tpu.dimension_semantics<arbitrary>], iteration_bounds = array<i64: 50>, scalar_prefetch = 0 : i64, scratch_operands = 0 : i64, tpu.core_type = #tpu.core_type<tc>, window_params = [{transform_indices = @transform_0, window_bounds = array<i64: 1000, 64>}, {pipeline_mode = #tpu.pipeline_mode<synchronous>, transform_indices = @transform_1, window_bounds = array<i64: 64, 64>}, {transform_indices = @transform_2, window_bounds = array<i64: 1000, 1>}, {transform_indices = @transform_3, window_bounds = array<i64: 2, 1000, 32>}]} {
    %get3A = arith.constant 0 : index
    %get3A_0 = arith.constant 0 : index
    %get3A_1 = vector.load %arg1[%get3A, %get3A_0] : memref<1000x64xf32, #tpu.memory_space<vmem>>, vector<1000x64xf32>
    %get3A_2 = arith.constant 0 : index
    %get3A_3 = arith.constant 0 : index
    %get3A_4 = vector.load %arg2[%get3A_2, %get3A_3] : memref<64x64xf32, #tpu.memory_space<vmem>>, vector<64x64xf32>
    %dot_general3A = arith.constant dense<0.000000e+00> : vector<1000x64xf32>
    %dot_general3A_5 = tpu.matmul %get3A_1, %get3A_4, %dot_general3A {dimension_numbers = #tpu.dot_dimension_numbers<[1], [0], [0], [1], [0, 0, 1, 1], [], []>, transpose_lhs_hint = false} : vector<1000x64xf32>, vector<64x64xf32>, vector<1000x64xf32> -> vector<1000x64xf32>
    %get3A_6 = arith.constant 0 : index
    %get3A_7 = arith.constant 0 : index
    %get3A_8 = vector.load %arg3[%get3A_6, %get3A_7] : memref<1000x1xf32, #tpu.memory_space<vmem>>, vector<1000x1xf32>
    %mul3A = vector.broadcast %get3A_8 : vector<1000x1xf32> to vector<1000x64xf32>
    %mul3A_9 = arith.mulf %dot_general3A_5, %mul3A : vector<1000x64xf32>
    %slice3A = vector.extract_strided_slice %mul3A_9 {offsets = [0, 0], sizes = [1000, 32], strides = [1, 1]} : vector<1000x64xf32> to vector<1000x32xf32>
    %swap3A = arith.constant 0 : index
    %swap3A_10 = arith.constant 0 : index
    %swap3A_11 = arith.constant 0 : index
    %swap3A_12 = vector.load %arg4[%swap3A, %swap3A_10, %swap3A_11] : memref<2x1000x32xf32, #tpu.memory_space<vmem>>, vector<1x1000x32xf32>
    %swap3A_13 = vector.shape_cast %swap3A_12 : vector<1x1000x32xf32> to vector<1000x32xf32>
    %swap3A_14 = vector.shape_cast %slice3A : vector<1000x32xf32> to vector<1x1000x32xf32>
    tpu.vector_store %arg4[%swap3A, %swap3A_10, %swap3A_11], %swap3A_14 {strides = array<i32>} : memref<2x1000x32xf32, #tpu.memory_space<vmem>>, vector<1x1000x32xf32>,
    %slice3A_15 = vector.extract_strided_slice %mul3A_9 {offsets = [0, 32], sizes = [1000, 32], strides = [1, 1]} : vector<1000x64xf32> to vector<1000x32xf32>
    %swap3A_16 = arith.constant 1 : index
    %swap3A_17 = arith.constant 0 : index
    %swap3A_18 = arith.constant 0 : index
    %swap3A_19 = vector.load %arg4[%swap3A_16, %swap3A_17, %swap3A_18] : memref<2x1000x32xf32, #tpu.memory_space<vmem>>, vector<1x1000x32xf32>
    %swap3A_20 = vector.shape_cast %swap3A_19 : vector<1x1000x32xf32> to vector<1000x32xf32>
    %swap3A_21 = vector.shape_cast %slice3A_15 : vector<1000x32xf32> to vector<1x1000x32xf32>
    tpu.vector_store %arg4[%swap3A_16, %swap3A_17, %swap3A_18], %swap3A_21 {strides = array<i32>} : memref<2x1000x32xf32, #tpu.memory_space<vmem>>, vector<1x1000x32xf32>,
    return
  }
  func.func @transform_0(%arg0: i32) -> (i32, i32) {
    %c0_i32 = arith.constant 0 : i32
    %c0_i32_0 = arith.constant 0 : i32
    return %arg0, %c0_i32 : i32, i32
  }
  func.func @transform_1(%arg0: i32) -> (i32, i32) {
    %c0_i32 = arith.constant 0 : i32
    %c0_i32_0 = arith.constant 0 : i32
    %c0_i32_1 = arith.constant 0 : i32
    return %c0_i32, %c0_i32_0 : i32, i32
  }
  func.func @transform_2(%arg0: i32) -> (i32, i32) {
    %c0_i32 = arith.constant 0 : i32
    %c0_i32_0 = arith.constant 0 : i32
    return %arg0, %c0_i32 : i32, i32
  }
  func.func @transform_3(%arg0: i32) -> (i32, i32, i32) {
    %c0_i32 = arith.constant 0 : i32
    %c0_i32_0 = arith.constant 0 : i32
    %c0_i32_1 = arith.constant 0 : i32
    return %c0_i32, %arg0, %c0_i32_0 : i32, i32, i32
  }
}

module attributes {stable_mosaic.version = 14 : i64} {
  func.func @_prologue_body(%arg0: i32, %arg1: memref<1000x128xf32, #tpu.memory_space<vmem>>, %arg2: memref<128x64xf32, #tpu.memory_space<vmem>>, %arg3: memref<64xf32, #tpu.memory_space<vmem>>, %arg4: memref<1x1000x32xf32, #tpu.memory_space<vmem>>, %arg5: memref<1000x64xf32, #tpu.memory_space<vmem>>, %arg6: memref<1000x1xf32, #tpu.memory_space<vmem>>) attributes {dimension_semantics = [#tpu.dimension_semantics<arbitrary>], iteration_bounds = array<i64: 50>, scalar_prefetch = 0 : i64, scratch_operands = 0 : i64, tpu.core_type = #tpu.core_type<tc>, window_params = [{transform_indices = @transform_0, window_bounds = array<i64: 1000, 128>}, {pipeline_mode = #tpu.pipeline_mode<synchronous>, transform_indices = @transform_1, window_bounds = array<i64: 128, 64>}, {pipeline_mode = #tpu.pipeline_mode<synchronous>, transform_indices = @transform_2, window_bounds = array<i64: 64>}, {transform_indices = @transform_3, window_bounds = array<i64: 1, 1000, 32>}, {transform_indices = @transform_4, window_bounds = array<i64: 1000, 64>}, {transform_indices = @transform_5, window_bounds = array<i64: 1000, 1>}]} {
    %get3A = arith.constant 0 : index
    %get3A_0 = arith.constant 0 : index
    %get3A_1 = vector.load %arg1[%get3A, %get3A_0] : memref<1000x128xf32, #tpu.memory_space<vmem>>, vector<1000x128xf32>
    %get3A_2 = arith.constant 0 : index
    %get3A_3 = arith.constant 0 : index
    %get3A_4 = vector.load %arg2[%get3A_2, %get3A_3] : memref<128x64xf32, #tpu.memory_space<vmem>>, vector<128x64xf32>
    %dot_general3A = arith.constant dense<0.000000e+00> : vector<1000x64xf32>
    %dot_general3A_5 = tpu.matmul %get3A_1, %get3A_4, %dot_general3A {dimension_numbers = #tpu.dot_dimension_numbers<[1], [0], [0], [1], [0, 0, 1, 1], [], []>, transpose_lhs_hint = false} : vector<1000x128xf32>, vector<128x64xf32>, vector<1000x64xf32> -> vector<1000x64xf32>
    %get3A_6 = arith.constant 0 : index
    %get3A_7 = vector.load %arg3[%get3A_6] : memref<64xf32, #tpu.memory_space<vmem>>, vector<64xf32>
    %broadcast_in_dim3A = vector.shape_cast %get3A_7 : vector<64xf32> to vector<1x64xf32>
    %add3A = vector.broadcast %broadcast_in_dim3A : vector<1x64xf32> to vector<1000x64xf32>
    %add3A_8 = arith.addf %dot_general3A_5, %add3A : vector<1000x64xf32>
    %max3A = arith.constant 0.000000e+00 : f32
    %max3A_9 = vector.broadcast %max3A : f32 to vector<1000x64xf32>
    %max3A_10 = arith.maximumf %add3A_8, %max3A_9 : vector<1000x64xf32>
    %swap3A = arith.constant 0 : index
    %swap3A_11 = arith.constant 0 : index
    %swap3A_12 = vector.load %arg5[%swap3A, %swap3A_11] : memref<1000x64xf32, #tpu.memory_space<vmem>>, vector<1000x64xf32>
    tpu.vector_store %arg5[%swap3A, %swap3A_11], %max3A_10 {strides = array<i32>} : memref<1000x64xf32, #tpu.memory_space<vmem>>, vector<1000x64xf32>,
    %get3A_13 = arith.constant 0 : index
    %get3A_14 = arith.constant 0 : index
    %get3A_15 = arith.constant 0 : index
    %get3A_16 = vector.load %arg4[%get3A_13, %get3A_14, %get3A_15] : memref<1x1000x32xf32, #tpu.memory_space<vmem>>, vector<1x1000x1xf32>
    %get3A_17 = vector.shape_cast %get3A_16 : vector<1x1000x1xf32> to vector<1000x1xf32>
    %add3A_18 = arith.constant 1.000000e+00 : f32
    %add3A_19 = vector.broadcast %add3A_18 : f32 to vector<1000x1xf32>
    %add3A_20 = arith.addf %get3A_17, %add3A_19 : vector<1000x1xf32>
    %rsqrt3A = math.rsqrt %add3A_20 : vector<1000x1xf32>
    %swap3A_21 = arith.constant 0 : index
    %swap3A_22 = arith.constant 0 : index
    %swap3A_23 = vector.load %arg6[%swap3A_21, %swap3A_22] : memref<1000x1xf32, #tpu.memory_space<vmem>>, vector<1000x1xf32>
    tpu.vector_store %arg6[%swap3A_21, %swap3A_22], %rsqrt3A {strides = array<i32>} : memref<1000x1xf32, #tpu.memory_space<vmem>>, vector<1000x1xf32>,
    return
  }
  func.func @transform_0(%arg0: i32) -> (i32, i32) {
    %c0_i32 = arith.constant 0 : i32
    %c0_i32_0 = arith.constant 0 : i32
    return %arg0, %c0_i32 : i32, i32
  }
  func.func @transform_1(%arg0: i32) -> (i32, i32) {
    %c0_i32 = arith.constant 0 : i32
    %c0_i32_0 = arith.constant 0 : i32
    %c0_i32_1 = arith.constant 0 : i32
    return %c0_i32, %c0_i32_0 : i32, i32
  }
  func.func @transform_2(%arg0: i32) -> i32 {
    %c0_i32 = arith.constant 0 : i32
    %c0_i32_0 = arith.constant 0 : i32
    return %c0_i32 : i32
  }
  func.func @transform_3(%arg0: i32) -> (i32, i32, i32) {
    %c0_i32 = arith.constant 0 : i32
    %c0_i32_0 = arith.constant 0 : i32
    %c0_i32_1 = arith.constant 0 : i32
    return %c0_i32, %arg0, %c0_i32_0 : i32, i32, i32
  }
  func.func @transform_4(%arg0: i32) -> (i32, i32) {
    %c0_i32 = arith.constant 0 : i32
    %c0_i32_0 = arith.constant 0 : i32
    return %arg0, %c0_i32 : i32, i32
  }
  func.func @transform_5(%arg0: i32) -> (i32, i32) {
    %c0_i32 = arith.constant 0 : i32
    %c0_i32_0 = arith.constant 0 : i32
    return %arg0, %c0_i32 : i32, i32
  }
}

module attributes {stable_mosaic.version = 14 : i64} {
  func.func @_norm_body(%arg0: i32, %arg1: memref<2x1000x32xf32, #tpu.memory_space<vmem>>, %arg2: memref<2x1000x32xf32, #tpu.memory_space<vmem>>, %arg3: memref<1000x1xf32, #tpu.memory_space<vmem>>, %arg4: memref<1000x64xf32, #tpu.memory_space<vmem>>, %arg5: memref<64xf32, #tpu.memory_space<vmem>>, %arg6: memref<64xf32, #tpu.memory_space<vmem>>, %arg7: memref<64xf32, #tpu.memory_space<vmem>>, %arg8: memref<1000x64xf32, #tpu.memory_space<vmem>>) attributes {dimension_semantics = [#tpu.dimension_semantics<arbitrary>], iteration_bounds = array<i64: 50>, scalar_prefetch = 0 : i64, scratch_operands = 0 : i64, tpu.core_type = #tpu.core_type<tc>, window_params = [{transform_indices = @transform_0, window_bounds = array<i64: 2, 1000, 32>}, {transform_indices = @transform_1, window_bounds = array<i64: 2, 1000, 32>}, {transform_indices = @transform_2, window_bounds = array<i64: 1000, 1>}, {transform_indices = @transform_3, window_bounds = array<i64: 1000, 64>}, {pipeline_mode = #tpu.pipeline_mode<synchronous>, transform_indices = @transform_4, window_bounds = array<i64: 64>}, {pipeline_mode = #tpu.pipeline_mode<synchronous>, transform_indices = @transform_5, window_bounds = array<i64: 64>}, {pipeline_mode = #tpu.pipeline_mode<synchronous>, transform_indices = @transform_6, window_bounds = array<i64: 64>}, {transform_indices = @transform_7, window_bounds = array<i64: 1000, 64>}]} {
    %get3A = arith.constant 0 : index
    %get3A_0 = arith.constant 0 : index
    %get3A_1 = arith.constant 0 : index
    %get3A_2 = vector.load %arg1[%get3A, %get3A_0, %get3A_1] : memref<2x1000x32xf32, #tpu.memory_space<vmem>>, vector<1x1000x32xf32>
    %get3A_3 = vector.shape_cast %get3A_2 : vector<1x1000x32xf32> to vector<1000x32xf32>
    %get3A_4 = arith.constant 0 : index
    %get3A_5 = arith.constant 0 : index
    %get3A_6 = arith.constant 0 : index
    %get3A_7 = vector.load %arg2[%get3A_4, %get3A_5, %get3A_6] : memref<2x1000x32xf32, #tpu.memory_space<vmem>>, vector<1x1000x32xf32>
    %get3A_8 = vector.shape_cast %get3A_7 : vector<1x1000x32xf32> to vector<1000x32xf32>
    %add3A = arith.addf %get3A_3, %get3A_8 : vector<1000x32xf32>
    %get3A_9 = arith.constant 1 : index
    %get3A_10 = arith.constant 0 : index
    %get3A_11 = arith.constant 0 : index
    %get3A_12 = vector.load %arg1[%get3A_9, %get3A_10, %get3A_11] : memref<2x1000x32xf32, #tpu.memory_space<vmem>>, vector<1x1000x32xf32>
    %get3A_13 = vector.shape_cast %get3A_12 : vector<1x1000x32xf32> to vector<1000x32xf32>
    %get3A_14 = arith.constant 1 : index
    %get3A_15 = arith.constant 0 : index
    %get3A_16 = arith.constant 0 : index
    %get3A_17 = vector.load %arg2[%get3A_14, %get3A_15, %get3A_16] : memref<2x1000x32xf32, #tpu.memory_space<vmem>>, vector<1x1000x32xf32>
    %get3A_18 = vector.shape_cast %get3A_17 : vector<1x1000x32xf32> to vector<1000x32xf32>
    %add3A_19 = arith.addf %get3A_13, %get3A_18 : vector<1000x32xf32>
    %concatenate3A = tpu.concatenate %add3A, %add3A_19 in 1 : vector<1000x32xf32>, vector<1000x32xf32> -> vector<1000x64xf32>
    %get3A_20 = arith.constant 0 : index
    %get3A_21 = arith.constant 0 : index
    %get3A_22 = vector.load %arg3[%get3A_20, %get3A_21] : memref<1000x1xf32, #tpu.memory_space<vmem>>, vector<1000x1xf32>
    %mul3A = vector.broadcast %get3A_22 : vector<1000x1xf32> to vector<1000x64xf32>
    %mul3A_23 = arith.mulf %mul3A, %concatenate3A : vector<1000x64xf32>
    %get3A_24 = arith.constant 0 : index
    %get3A_25 = vector.load %arg7[%get3A_24] : memref<64xf32, #tpu.memory_space<vmem>>, vector<64xf32>
    %broadcast_in_dim3A = vector.shape_cast %get3A_25 : vector<64xf32> to vector<1x64xf32>
    %add3A_26 = vector.broadcast %broadcast_in_dim3A : vector<1x64xf32> to vector<1000x64xf32>
    %add3A_27 = arith.addf %mul3A_23, %add3A_26 : vector<1000x64xf32>
    %reduce_sum3A = arith.constant dense<0.000000e+00> : vector<1000xf32>
    %reduce_sum3A_28 = vector.multi_reduction <add>, %add3A_27, %reduce_sum3A [1] : vector<1000x64xf32> to vector<1000xf32>
    %broadcast_in_dim3A_29 = vector.shape_cast %reduce_sum3A_28 : vector<1000xf32> to vector<1000x1xf32>
    %div3A = arith.constant 6.400000e+01 : f32
    %div3A_30 = vector.broadcast %div3A : f32 to vector<1000x1xf32>
    %div3A_31 = arith.divf %broadcast_in_dim3A_29, %div3A_30 : vector<1000x1xf32>
    %sub3A = vector.broadcast %div3A_31 : vector<1000x1xf32> to vector<1000x64xf32>
    %sub3A_32 = arith.subf %add3A_27, %sub3A : vector<1000x64xf32>
    %integer_pow3A = arith.mulf %sub3A_32, %sub3A_32 : vector<1000x64xf32>
    %reduce_sum3A_33 = arith.constant dense<0.000000e+00> : vector<1000xf32>
    %reduce_sum3A_34 = vector.multi_reduction <add>, %integer_pow3A, %reduce_sum3A_33 [1] : vector<1000x64xf32> to vector<1000xf32>
    %broadcast_in_dim3A_35 = vector.shape_cast %reduce_sum3A_34 : vector<1000xf32> to vector<1000x1xf32>
    %div3A_36 = arith.constant 6.400000e+01 : f32
    %div3A_37 = vector.broadcast %div3A_36 : f32 to vector<1000x1xf32>
    %div3A_38 = arith.divf %broadcast_in_dim3A_35, %div3A_37 : vector<1000x1xf32>
    %sub3A_39 = vector.broadcast %div3A_31 : vector<1000x1xf32> to vector<1000x64xf32>
    %sub3A_40 = arith.subf %add3A_27, %sub3A_39 : vector<1000x64xf32>
    %add3A_41 = arith.constant 9.99999974E-6 : f32
    %add3A_42 = vector.broadcast %add3A_41 : f32 to vector<1000x1xf32>
    %add3A_43 = arith.addf %div3A_38, %add3A_42 : vector<1000x1xf32>
    %rsqrt3A = math.rsqrt %add3A_43 : vector<1000x1xf32>
    %mul3A_44 = vector.broadcast %rsqrt3A : vector<1000x1xf32> to vector<1000x64xf32>
    %mul3A_45 = arith.mulf %sub3A_40, %mul3A_44 : vector<1000x64xf32>
    %get3A_46 = arith.constant 0 : index
    %get3A_47 = vector.load %arg5[%get3A_46] : memref<64xf32, #tpu.memory_space<vmem>>, vector<64xf32>
    %broadcast_in_dim3A_48 = vector.shape_cast %get3A_47 : vector<64xf32> to vector<1x64xf32>
    %mul3A_49 = vector.broadcast %broadcast_in_dim3A_48 : vector<1x64xf32> to vector<1000x64xf32>
    %mul3A_50 = arith.mulf %mul3A_45, %mul3A_49 : vector<1000x64xf32>
    %get3A_51 = arith.constant 0 : index
    %get3A_52 = vector.load %arg6[%get3A_51] : memref<64xf32, #tpu.memory_space<vmem>>, vector<64xf32>
    %broadcast_in_dim3A_53 = vector.shape_cast %get3A_52 : vector<64xf32> to vector<1x64xf32>
    %add3A_54 = vector.broadcast %broadcast_in_dim3A_53 : vector<1x64xf32> to vector<1000x64xf32>
    %add3A_55 = arith.addf %mul3A_50, %add3A_54 : vector<1000x64xf32>
    %max3A = arith.constant 0.000000e+00 : f32
    %max3A_56 = vector.broadcast %max3A : f32 to vector<1000x64xf32>
    %max3A_57 = arith.maximumf %add3A_55, %max3A_56 : vector<1000x64xf32>
    %get3A_58 = arith.constant 0 : index
    %get3A_59 = arith.constant 0 : index
    %get3A_60 = vector.load %arg4[%get3A_58, %get3A_59] : memref<1000x64xf32, #tpu.memory_space<vmem>>, vector<1000x64xf32>
    %add3A_61 = arith.addf %max3A_57, %get3A_60 : vector<1000x64xf32>
    %swap3A = arith.constant 0 : index
    %swap3A_62 = arith.constant 0 : index
    %swap3A_63 = vector.load %arg8[%swap3A, %swap3A_62] : memref<1000x64xf32, #tpu.memory_space<vmem>>, vector<1000x64xf32>
    tpu.vector_store %arg8[%swap3A, %swap3A_62], %add3A_61 {strides = array<i32>} : memref<1000x64xf32, #tpu.memory_space<vmem>>, vector<1000x64xf32>,
    return
  }
  func.func @transform_0(%arg0: i32) -> (i32, i32, i32) {
    %c0_i32 = arith.constant 0 : i32
    %c0_i32_0 = arith.constant 0 : i32
    %c0_i32_1 = arith.constant 0 : i32
    return %c0_i32, %arg0, %c0_i32_0 : i32, i32, i32
  }
  func.func @transform_1(%arg0: i32) -> (i32, i32, i32) {
    %c0_i32 = arith.constant 0 : i32
    %c0_i32_0 = arith.constant 0 : i32
    %c0_i32_1 = arith.constant 0 : i32
    return %c0_i32, %arg0, %c0_i32_0 : i32, i32, i32
  }
  func.func @transform_2(%arg0: i32) -> (i32, i32) {
    %c0_i32 = arith.constant 0 : i32
    %c0_i32_0 = arith.constant 0 : i32
    return %arg0, %c0_i32 : i32, i32
  }
  func.func @transform_3(%arg0: i32) -> (i32, i32) {
    %c0_i32 = arith.constant 0 : i32
    %c0_i32_0 = arith.constant 0 : i32
    return %arg0, %c0_i32 : i32, i32
  }
  func.func @transform_4(%arg0: i32) -> i32 {
    %c0_i32 = arith.constant 0 : i32
    %c0_i32_0 = arith.constant 0 : i32
    return %c0_i32 : i32
  }
  func.func @transform_5(%arg0: i32) -> i32 {
    %c0_i32 = arith.constant 0 : i32
    %c0_i32_0 = arith.constant 0 : i32
    return %c0_i32 : i32
  }
  func.func @transform_6(%arg0: i32) -> i32 {
    %c0_i32 = arith.constant 0 : i32
    %c0_i32_0 = arith.constant 0 : i32
    return %c0_i32 : i32
  }
  func.func @transform_7(%arg0: i32) -> (i32, i32) {
    %c0_i32 = arith.constant 0 : i32
    %c0_i32_0 = arith.constant 0 : i32
    return %arg0, %c0_i32 : i32, i32
  }
}

module attributes {stable_mosaic.version = 14 : i64} {
  func.func @_out_body(%arg0: i32, %arg1: memref<1000x64xf32, #tpu.memory_space<vmem>>, %arg2: memref<1x64xf32, #tpu.memory_space<vmem>>, %arg3: memref<1xf32, #tpu.memory_space<vmem>>, %arg4: memref<1000x1xf32, #tpu.memory_space<vmem>>) attributes {dimension_semantics = [#tpu.dimension_semantics<arbitrary>], iteration_bounds = array<i64: 50>, scalar_prefetch = 0 : i64, scratch_operands = 0 : i64, tpu.core_type = #tpu.core_type<tc>, window_params = [{transform_indices = @transform_0, window_bounds = array<i64: 1000, 64>}, {pipeline_mode = #tpu.pipeline_mode<synchronous>, transform_indices = @transform_1, window_bounds = array<i64: 1, 64>}, {pipeline_mode = #tpu.pipeline_mode<synchronous>, transform_indices = @transform_2, window_bounds = array<i64: 1>}, {transform_indices = @transform_3, window_bounds = array<i64: 1000, 1>}]} {
    %get3A = arith.constant 0 : index
    %get3A_0 = arith.constant 0 : index
    %get3A_1 = vector.load %arg1[%get3A, %get3A_0] : memref<1000x64xf32, #tpu.memory_space<vmem>>, vector<1000x64xf32>
    %get3A_2 = arith.constant 0 : index
    %get3A_3 = arith.constant 0 : index
    %get3A_4 = vector.load %arg2[%get3A_2, %get3A_3] : memref<1x64xf32, #tpu.memory_space<vmem>>, vector<1x64xf32>
    %mul3A = vector.broadcast %get3A_4 : vector<1x64xf32> to vector<1000x64xf32>
    %mul3A_5 = arith.mulf %get3A_1, %mul3A : vector<1000x64xf32>
    %reduce_sum3A = arith.constant dense<0.000000e+00> : vector<1000xf32>
    %reduce_sum3A_6 = vector.multi_reduction <add>, %mul3A_5, %reduce_sum3A [1] : vector<1000x64xf32> to vector<1000xf32>
    %broadcast_in_dim3A = vector.shape_cast %reduce_sum3A_6 : vector<1000xf32> to vector<1000x1xf32>
    %get3A_7 = arith.constant 0 : index
    %get3A_8 = vector.load %arg3[%get3A_7] : memref<1xf32, #tpu.memory_space<vmem>>, vector<1xf32>
    %get3A_9 = vector.extract %get3A_8[0] : f32 from vector<1xf32>
    %add3A = vector.broadcast %get3A_9 : f32 to vector<1000x1xf32>
    %add3A_10 = arith.addf %broadcast_in_dim3A, %add3A : vector<1000x1xf32>
    %swap3A = arith.constant 0 : index
    %swap3A_11 = arith.constant 0 : index
    %swap3A_12 = vector.load %arg4[%swap3A, %swap3A_11] : memref<1000x1xf32, #tpu.memory_space<vmem>>, vector<1000x1xf32>
    tpu.vector_store %arg4[%swap3A, %swap3A_11], %add3A_10 {strides = array<i32>} : memref<1000x1xf32, #tpu.memory_space<vmem>>, vector<1000x1xf32>,
    return
  }
  func.func @transform_0(%arg0: i32) -> (i32, i32) {
    %c0_i32 = arith.constant 0 : i32
    %c0_i32_0 = arith.constant 0 : i32
    return %arg0, %c0_i32 : i32, i32
  }
  func.func @transform_1(%arg0: i32) -> (i32, i32) {
    %c0_i32 = arith.constant 0 : i32
    %c0_i32_0 = arith.constant 0 : i32
    %c0_i32_1 = arith.constant 0 : i32
    return %c0_i32, %c0_i32_0 : i32, i32
  }
  func.func @transform_2(%arg0: i32) -> i32 {
    %c0_i32 = arith.constant 0 : i32
    %c0_i32_0 = arith.constant 0 : i32
    return %c0_i32 : i32
  }
  func.func @transform_3(%arg0: i32) -> (i32, i32) {
    %c0_i32 = arith.constant 0 : i32
    %c0_i32_0 = arith.constant 0 : i32
    return %arg0, %c0_i32 : i32, i32
  }
}

</mosaic_0001>

<sc_bundles>
// kernel: kernel.14.cloned.1.call-start
scs
__scs_entry_jumppad:
0x0: {  	(pc) =	sbr.rel $0x88, $3  }
0x1: {  	(tag) =	ssettag $0x0;
	lr =	simm.s32 $0x1  }
0x2: {  	[smem:$0x3F97] =	sst lr;
	_ =	strace $0xD0000000  }
0x3: {  	_ = 	snop  }
0x4: {  	_ = 	snop  }
0x5: {  	_ = 	snop  }
0x6: {  	_ = 	snop  }
0x7: {  	_ = 	snop  }
__scs_overlays_trampoline_lowered:
0x8: {  	[smem:$0x3FA6] =	sst s0  }
0x9: {  	[smem:$0x3FA7] =	sst s1  }
0xa: {  	[smem:$0x3FA8] =	sst s2  }
0xb: {  	[smem:$0x3FA9] =	sst s3  }
0xc: {  	[smem:$0x3FAA] =	sst s4  }
0xd: {  	[smem:$0x3FAB] =	sst s5  }
0xe: {  	[smem:$0x3FAC] =	sst s6  }
0xf: {  	[smem:$0x3FAD] =	sst s7  }
0x10: {  	[smem:$0x3FAE] =	sst s8  }
0x11: {  	[smem:$0x3FAF] =	sst s9;
	s0 =	simm.s32 @!p0 $0x0  }
0x12: {  	s1 =	sld [smem:$0x3F95];
	s0 =	simm.s32 @p0 $0x1  }
0x13: {  	[smem:$0x3FB0] =	sst s0;
	s0 =	simm.s32 @!p1 $0x0  }
0x14: {  	s2 =	sld [smem:$0x3F94];
	s0 =	simm.s32 @p1 $0x1  }
0x15: {  	[smem:$0x3FB1] =	sst s0;
	s0 =	simm.s32 @!p2 $0x0  }
0x16: {  	s3 =	sld [smem:$0x3FDB];
	s0 =	simm.s32 @p2 $0x1  }
0x17: {  	s4 =	simm.s32 $0x1BF5;
	[smem:$0x3FB3] =	sst s0  }
0x18: {  	s0 =	sld [smem:$0x3F96];
	_ =	swait.ge [sflag:s4], $0x0  }
0x19: {  	s7 =	sld [smem:$0x3F97]  }
0x1a: {  	s8 =	sadd.s32 $0xFFFFE003, lr  }
0x1b: {  	s9 =	sadd.s32 $0xFFFFFEF7, lr;
	s5 =	simm.s32 $0xFFFFFFFF;
	p2 =	slt.u32 s8, $0xFFFFF086  }
0x1c: {  	p1 =	slt.u32 s9, $0xF7A;
	s5 =	simm.s32 @!p2 $0x0  }
0x1d: {  	s5 =	simm.s32 @p1 $0x1;
	p0 =	seq.s32 s7, s2  }
0x1e: {  	s7 =	smul.u32 @!p0 $0xF7A, s2;
	p2 =	seq.s32 @!p0 s5, $0x0  }
0x1f: {  	s9 =	smul.u32 $0xF7A, s1;
	s8 =	simm.s32 @!p0 $0x1BF5;
	p2 =	por !p2, p0  }
0x20: {  	[sflag:s8] =	ssyncset.s32 @!p0 $0xFFFFF086;
	s6 =	sadd.s32 @!p0 s3, s7;
	s7 =	simm.s32 @!p0 $0x108  }
0x21: {  	s3 =	sadd.s32 s3, s9;
	s6 =	sadd.s32 @!p0 $0x88, s6;
	s7 =	simm.s32 @p2 $0x1082  }
0x22: {  	[simem:s7], [sflag:s8] =	dma.local @!p0 [hbm:s6], $0xF7A  }
0x23: {  	s9 =	sor.u32 $0xD0000000, s2;
	s6 =	simm.s32 $0x108;
	_ =	swait.ge @!p0 [sflag:s8], $0x0  }
0x24: {  	s3 =	sadd.s32 $0x88, s3;
	s6 =	simm.s32 @!p1 $0x1082;
	[sflag:s4] =	ssyncset.s32 $0xFFFFF086  }
0x25: {  	[simem:s6], [sflag:s4] =	dma.local [hbm:s3], $0xF7A  }
0x26: {  	[smem:$0x3F97] =	sst s1;
	(tag) =	ssettag s2;
	_ =	strace s9  }
0x27: {  	s1 =	sld [smem:$0x3FA7]  }
0x28: {  	s2 =	sld [smem:$0x3FA8]  }
0x29: {  	s4 =	sld [smem:$0x3FAA]  }
0x2a: {  	p0 =	seq.s32 s5, $0x0;
	s5 =	sld [smem:$0x3FAB]  }
0x2b: {  	s6 =	sld [smem:$0x3FAC]  }
0x2c: {  	s7 =	sld [smem:$0x3FAD]  }
0x2d: {  	s3 =	simm.s32 $0x108;
	s8 =	sld [smem:$0x3FAE]  }
0x2e: {  	s3 =	simm.s32 @!p0 $0x1082;
	s9 =	sld [smem:$0x3FAF]  }
0x2f: {  	lr =	sadd.s32 s0, s3;
	s0 =	sld [smem:$0x3FA6]  }
0x30: {  	s3 =	sld [smem:$0x3FA9]  }
0x31: {  	[smem:$0x3FB2] =	sst s10  }
0x32: {  	s10 =	sld [smem:$0x3FB0];
	_ =	sdelay $0x3  }
0x33: {  	p0 =	seq.s32 s10, $0x1;
	s10 =	sld [smem:$0x3FB2];
	_ =	sdelay $0x3  }
0x34: {  	[smem:$0x3FB2] =	sst s10  }
0x35: {  	s10 =	sld [smem:$0x3FB1];
	_ =	sdelay $0x3  }
0x36: {  	p1 =	seq.s32 s10, $0x1;
	s10 =	sld [smem:$0x3FB2];
	_ =	sdelay $0x3  }
0x37: {  	[smem:$0x3FB2] =	sst s10  }
0x38: {  	s10 =	sld [smem:$0x3FB3]  }
0x39: {  	_ = 	snop;
	(pc) =	sbr.ind lr, $3  }
0x3a: {  	_ = 	snop  }
0x3b: {  	_ = 	snop  }
0x3c: {  	p2 =	seq.s32 s10, $0x1;
	s10 =	sld [smem:$0x3FB2]  }
0x3d: {  	_ =	shalt  }
0x3e: {  	_ =	shalt  }
0x3f: {  	_ =	shalt  }
0x40: {  	_ =	shalt  }
0x41: {  	_ =	shalt  }
0x42: {  	_ =	shalt  }
0x43: {  	_ =	shalt  }
0x44: {  	_ =	shalt  }
0x45: {  	_ =	shalt  }
0x46: {  	_ =	shalt  }
0x47: {  	_ =	shalt  }
0x48: {  	_ =	shalt  }
0x49: {  	_ =	shalt  }
0x4a: {  	_ =	shalt  }
0x4b: {  	_ =	shalt  }
0x4c: {  	_ =	shalt  }
0x4d: {  	_ =	shalt  }
0x4e: {  	_ =	shalt  }
0x4f: {  	_ =	shalt  }
0x50: {  	_ =	shalt  }
0x51: {  	_ =	shalt  }
0x52: {  	_ =	shalt  }
0x53: {  	_ =	shalt  }
0x54: {  	_ =	shalt  }
0x55: {  	_ =	shalt  }
0x56: {  	_ =	shalt  }
0x57: {  	_ =	shalt  }
0x58: {  	_ =	shalt  }
0x59: {  	_ =	shalt  }
0x5a: {  	_ =	shalt  }
0x5b: {  	_ =	shalt  }
0x5c: {  	_ =	shalt  }
0x5d: {  	_ =	shalt  }
0x5e: {  	_ =	shalt  }
0x5f: {  	_ =	shalt  }
0x60: {  	_ =	shalt  }
0x61: {  	_ =	shalt  }
0x62: {  	_ =	shalt  }
0x63: {  	_ =	shalt  }
0x64: {  	_ =	shalt  }
0x65: {  	_ =	shalt  }
0x66: {  	_ =	shalt  }
0x67: {  	_ =	shalt  }
0x68: {  	_ =	shalt  }
0x69: {  	_ =	shalt  }
0x6a: {  	_ =	shalt  }
0x6b: {  	_ =	shalt  }
0x6c: {  	_ =	shalt  }
0x6d: {  	_ =	shalt  }
0x6e: {  	_ =	shalt  }
0x6f: {  	_ =	shalt  }
0x70: {  	_ =	shalt  }
0x71: {  	_ =	shalt  }
0x72: {  	_ =	shalt  }
0x73: {  	_ =	shalt  }
0x74: {  	_ =	shalt  }
0x75: {  	_ =	shalt  }
0x76: {  	_ =	shalt  }
0x77: {  	_ =	shalt  }
0x78: {  	_ =	shalt  }
0x79: {  	_ =	shalt  }
0x7a: {  	_ =	shalt  }
0x7b: {  	_ =	shalt  }
0x7c: {  	_ =	shalt  }
0x7d: {  	_ =	shalt  }
0x7e: {  	_ =	shalt  }
0x7f: {  	_ =	shalt  }
0x80: {  	_ =	shalt  }
0x81: {  	_ =	shalt  }
0x82: {  	_ =	shalt  }
0x83: {  	_ =	shalt  }
0x84: {  	_ =	shalt  }
0x85: {  	_ =	shalt  }
0x86: {  	_ =	shalt  }
0x87: {  	_ =	shalt  }
.Lfunc_end0:
.L_simem_size_0:
called_computation_lowered:
.L_overlay_start_0:
0x88: {  	s2 =	sld [smem:$0x3FD9]  }
0x89: {  	s3 =	sld [smem:$0x3FFE];
	_ =	sdelay $0x1  }
0x8a: {  	s1 =	srdreg.scid  }
0x8b: {  	s0 =	sand.u32 $0x1, s1  }
0x8c: {  	s16 =	sshll.u32 s0, $0xA;
	s2 =	sadd.s32 s3, s2  }
0x8d: {  	s2 =	sadd.s32 s2, s16  }
0x8e: {  	[smem:$0x3FBE] =	sst s2  }
0x8f: {  	_ = 	snop  }
0x90: {  	(tm) =	ssettm $0x1  }
0x91: {  	s17 =	sld [smem:$0x3FFB];
	_ =	sdelay $0x3  }
0x92: {  	_ =	strace s17  }
0x93: {  	s2 =	sld [smem:$0x3FFC];
	_ =	sdelay $0x3  }
0x94: {  	_ =	strace s2  }
0x95: {  	s2 =	sld [smem:$0x3FFD];
	_ =	sdelay $0x3  }
0x96: {  	_ =	strace s2  }
0x97: {  	_ =	strace $0x8FFFFFFF  }
0x98: {  	s18 =	sld [smem:$0x3FDB];
	_ =	sdelay $0x1  }
0x99: {  	s19 =	simm.s32 $_scs_section_size  }
0x9a: {  	s4 =	simm.s32 $_size__tile_overlayer_lowered;
	s5 =	simm.s32 $_tile_overlayer_lowered  }
0x9b: {  	s22 =	simm.s32 $0x1BFF;
	s21 =	sshll.u32 s5, $0x1;
	s2 =	sadd.s32 s19, s18  }
0x9c: {  	s6 =	simm.s32 $0x0;
	s20 =	sshll.u32 s4, $0x1;
	s4 =	sadd.s32 s21, s2  }
0x9d: {  	[timem:s6], [sflag:s22] =	dma.local [hbm:s4], s20  }
0x9e: {  	_ =	swait.ge [sflag:s22], s20  }
0x9f: {  	s3 =	ssub.s32 $0x0, s20;
	[sflag:s22] =	ssyncset.done $0x0  }
0xa0: {  	[sflag:s22] =	ssyncadd.s32 s3;
	_ =	sdelay $0x1  }
0xa1: {  	s23 =	simm.s32 $0x1B8B  }
0xa2: {  	_ =	swait.ge [sflag:s23], $0x1  }
0xa3: {  	[sflag:s23] =	ssyncset.done $0x0  }
0xa4: {  	s25 =	simm.s32 $0x1B8E;
	s24 =	sld [smem:$0x3FFE];
	[sflag:s23] =	ssyncadd.s32 $0xFFFFFFFF  }
0xa5: {  	s26 =	simm.s32 $execute0_lowered;
	[smem:$0x3FD2] =	sst s25  }
0xa6: {  	s4 =	sshll.u32 s26, $0x1;
	_ =	strace $0x80000046;
	[dreg:$0x1] =	wrdreg $0xFFFFFFFF  }
0xa7: {  	s28 =	simm.s32 $_size_execute0_lowered;
	s2 =	sadd.s32 s2, s4;
	[dreg:$0x0] =	wrdreg $0x0  }
0xa8: {  	s4 =	sshll.u32 s28, $0x1;
	[dreg:$0x2] =	wrdreg s2  }
0xa9: {  	[dreg:$0x3] =	wrdreg s4  }
0xaa: {  	[dreg:$0x4] =	wrdreg $0xC0  }
0xab: {  	_ =	task [dreg:s6], $0x5FFFF  }
0xac: {  	[dreg:$0x1] =	wrdreg $0xFFFFFFFF  }
0xad: {  	[dreg:$0x0] =	wrdreg $0x60  }
0xae: {  	[dreg:$0x2] =	wrdreg s24  }
0xaf: {  	[dreg:$0x3] =	wrdreg $0x6A400  }
0xb0: {  	[dreg:$0x4] =	wrdreg $0x9  }
0xb1: {  	_ =	task.clear_ibuf [dreg:s6], $0x5FFFF;
	_ =	strace $0x90000046  }
0xb2: {  	s29 =	simm.s32 $0x9;
	_ =	strace $0x80000048  }
0xb3: {  	_ =	swait.ge [sflag:s29], $0x1  }
0xb4: {  	[sflag:s29] =	ssyncadd.s32 $0xFFFFFFFF  }
0xb5: {  	_ =	strace $0x90000048  }
0xb6: {  	_ =	sfence  }
0xb7: {  	s30 =	sld [smem:$0x0];
	_ =	sdelay $0x2  }
0xb8: {  	s31 =	sshll.u32 s1, $0xD;
	s1 =	sshrl.u32 s1, $0x2  }
0xb9: {  	s3 =	sand.u32 $0x4000, s31;
	s1 =	sadd.s32 s1, s30  }
0xba: {  	s0 =	sor.u32 s3, s0;
	s1 =	sshll.u32 s1, $0x11  }
0xbb: {  	s0 =	sor.u32 s1, s0  }
0xbc: {  	s0 =	sadd.s32 $0x8F2B, s0  }
0xbd: {  	[sflag:s0] =	ssyncadd.remote.s32 $0x1  }
0xbe: {  	_ =	sfence.sel $0xFFFF  }
0xbf: {  	[dreg:$0x0] =	wrdreg $0xFFFFFFFF;
	(pc) =	sbr.abs _section_cstart, $3  }
0xc0: {  	[dreg:$0x1] =	wrdreg $0xFFFFFFFF  }
0xc1: {  	_ =	task.clear_ibuf [dreg:s6], $0x2FFFF;
	_ =	strace $0x9FFFFFFF  }
0xc2: {  	(tm) =	ssettm $0x7FFFFFFF  }
0xc3: {  	_ =	shalt  }
tec
execute0_lowered:
.L_overlay_start_1:
0x0: {  	(tag) =	ssettag $0x1  }
0x1: {  	s5 =	rddreg [dreg:$0x0]  }
0x2: {  	s0 =	srdreg.scid;
	s1 =	rddreg [dreg:$0x1];
	s2 =	simm.s32 $0x0  }
0x3: {  	s16 =	simm.s32 $0x1;
	s4 =	sand.u32 $0x1, s0;
	s0 =	rddreg [dreg:$0x2]  }
0x4: {  	s17 =	simm.s32 $0x190;
	[smem:$0x7FF] =	sst s2;
	s11 =	sadd.s32 $0x98600, s5  }
0x5: {  	s10 =	sadd.s32 $0x1B000, s5;
	s3 =	smul.u32 $0x30D40, s4;
	_ =	strace $0x80000047  }
0x6: {  	s7 =	smul.u32 $0x30E00, s4;
	s8 =	ssub.s32 $0x2, s4;
	s4 =	sadd.s32 $0x33800, s5  }
0x7: {  	s12 =	sshrl.u32 s8, $0x1;
	s6 =	sadd.s32 s3, s5;
	s3 =	stileid.u32  }
0x8: {  	s14 =	sadd.s32 s7, s5;
	s12 =	ssub.s32 s8, s12;
	s9 =	smul.u32 $0x18700, s3  }
0x9: {  	s13 =	smul.u32 $0xC350, s3;
	s28 =	sshll.u32 s3, $0x6;
	s6 =	sadd.s32 $0x36A00, s6  }
0xa: {  	s31 =	smul.u32 $0x186A, s3;
	s18 =	sadd.s32 $0xB0E00, s14;
	s14 =	simm.s32 $0x320  }
0xb: {  	s5 =	sor.u32 $0x1C02, s28;
	s15 =	sadd.s32 s9, s1;
	s29 =	sshrl.u32 s13, $0x3  }
0xc: {  	s19 =	sshrl.u32 s9, $0x3;
	s9 =	smax.u32 s12, $0x1;
	s13 =	simm.s32 $0x2  }
0xd: {  	s30 =	sadd.s32 $0x1838, s29;
	s12 =	sshrl.u32 s15, $0x3;
	s15 =	simm.s32 $0x640  }
0xe: {  	s18 =	sadd.s32 s19, s18;
	s19 =	simm.s32 $0x0;
	s7 =	sadd.s32 s11, s30  }
0xf: {  	s8 =	sadd.s32 s10, s30;
	s10 =	sadd.s32 s31, s10;
	s11 =	sadd.s32 s31, s11  }
.LBB2_1:
0x10: {  	[spmem:s12], [sflag:s5] =	dma.local [hbm:s4], $0x30E0  }
0x11: {  	_ =	swait.ge [sflag:s13], $0x30E0  }
0x12: {  	[sflag:s13] =	ssyncset.done $0x0  }
0x13: {  	[sflag:s13] =	ssyncadd.s32 $0xFFFFCF20  }
0x14: {  	s20 =	sadd.s32 $0x0, s11;
	[bflag:$0x0] =	sbarrier.arrive $0xFFFF  }
0x15: {  	[tilespmem:s2], [sflag:$0x2] =	stream.linear.gather [hbm4b:s20+s2], $0x320, $0x38;
	[tilespmem:$0x1F140] =	vst v63  }
0x16: {  	_ =	swait.ge [sflag:s13], $0x320  }
0x17: {  	[sflag:s13] =	ssyncset.done $0x0  }
0x18: {  	s31 =	sadd.s32 $0x0, s10;
	[sflag:s13] =	ssyncadd.s32 $0xFFFFFCE0  }
0x19: {  	[tilespmem:s14], [sflag:$0x2] =	stream.linear.gather [hbm4b:s31+s2], $0x320, $0x38;
	[tilespmem:$0x1F140] =	vst v63  }
0x1a: {  	_ =	swait.ge [sflag:s13], $0x320  }
0x1b: {  	[sflag:s13] =	ssyncset.done $0x0  }
0x1c: {  	[sflag:s13] =	ssyncadd.s32 $0xFFFFFCE0  }
0x1d: {  	[tilespmem:s15], [sflag:$0x1] =	stream.indirect.gather [hbm4b:s6+s14], $0x20, s2, s14, $0xb8;
	[tilespmem:$0x1F140] =	vst v63  }
0x1e: {  	_ =	swait.ge [sflag:s16], $0x6400  }
0x1f: {  	[sflag:s16] =	ssyncset.done $0x0  }
0x20: {  	[sflag:s16] =	ssyncadd.s32 $0xFFFF9C00  }
0x21: {  	[spmem:s1] =	stream.indirect.scatter.add.f32 [tilespmem:s15], [sflag:$0x2], $0x20, s14, s14, $0xb8;
	[tilespmem:$0x1F140] =	vst v63  }
0x22: {  	_ =	swait.ge [sflag:s13], $0x6400  }
0x23: {  	s21 =	simm.s32 $0xC8;
	s20 =	simm.s32 $0x64;
	[sflag:s13] =	ssyncset.done $0x0  }
.LBB2_2:
0x24: {  	s22 =	sadd.s32 s20, s11  }
0x25: {  	[sflag:s13] =	ssyncadd.s32 $0xFFFF9C00;
	s23 =	smov.u32 s21;
	s24 =	sadd.s32 $0x64, s21  }
0x26: {  	[tilespmem:s2], [sflag:$0x2] =	stream.linear.gather [hbm4b:s22+s2], $0x320, $0x38;
	[tilespmem:$0x1F140] =	vst v63  }
0x27: {  	p0 =	sne.s32 s21, $0x17D4;
	_ =	swait.ge [sflag:s13], $0x320  }
0x28: {  	[sflag:s13] =	ssyncset.done $0x0  }
0x29: {  	s21 =	sadd.s32 s20, s10;
	s20 =	smov.u32 s23;
	[sflag:s13] =	ssyncadd.s32 $0xFFFFFCE0  }
0x2a: {  	[tilespmem:s14], [sflag:$0x2] =	stream.linear.gather [hbm4b:s21+s2], $0x320, $0x38;
	[tilespmem:$0x1F140] =	vst v63  }
0x2b: {  	_ =	swait.ge [sflag:s13], $0x320  }
0x2c: {  	[sflag:s13] =	ssyncset.done $0x0  }
0x2d: {  	[sflag:s13] =	ssyncadd.s32 $0xFFFFFCE0  }
0x2e: {  	[tilespmem:s15], [sflag:$0x1] =	stream.indirect.gather [hbm4b:s6+s14], $0x20, s2, s14, $0xb8;
	[tilespmem:$0x1F140] =	vst v63  }
0x2f: {  	_ =	swait.ge [sflag:s16], $0x6400  }
.Ltmp0:
0x30: {  	[sflag:s16] =	ssyncset.done $0x0;
	(pc) =	sbr.rel @p0 .LBB2_2-.Ltmp0, $4  }
0x31: {  	[sflag:s16] =	ssyncadd.s32 $0xFFFF9C00  }
0x32: {  	[spmem:s1] =	stream.indirect.scatter.add.f32 [tilespmem:s15], [sflag:$0x2], $0x20, s14, s14, $0xb8;
	[tilespmem:$0x1F140] =	vst v63  }
0x33: {  	_ =	swait.ge [sflag:s13], $0x6400  }
0x34: {  	s21 =	smov.u32 s24;
	[sflag:s13] =	ssyncset.done $0x0  }
0x35: {  	s21 =	sadd.s32 s20, s11;
	[sflag:s13] =	ssyncadd.s32 $0xFFFF9C00  }
0x36: {  	[tilespmem:s2], [sflag:$0x2] =	stream.linear.gather [hbm4b:s21+s2], $0x320, $0x38;
	[tilespmem:$0x1F140] =	vst v63  }
0x37: {  	_ =	swait.ge [sflag:s13], $0x320  }
0x38: {  	[sflag:s13] =	ssyncset.done $0x0  }
0x39: {  	s31 =	sadd.s32 s20, s10;
	[sflag:s13] =	ssyncadd.s32 $0xFFFFFCE0  }
0x3a: {  	[tilespmem:s14], [sflag:$0x2] =	stream.linear.gather [hbm4b:s31+s2], $0x320, $0x38;
	[tilespmem:$0x1F140] =	vst v63  }
0x3b: {  	_ =	swait.ge [sflag:s13], $0x320  }
0x3c: {  	[sflag:s13] =	ssyncset.done $0x0  }
0x3d: {  	[sflag:s13] =	ssyncadd.s32 $0xFFFFFCE0  }
0x3e: {  	[tilespmem:s15], [sflag:$0x1] =	stream.indirect.gather [hbm4b:s6+s14], $0x20, s2, s14, $0xb8;
	[tilespmem:$0x1F140] =	vst v63  }
0x3f: {  	_ =	swait.ge [sflag:s16], $0x6400  }
0x40: {  	[sflag:s16] =	ssyncset.done $0x0  }
0x41: {  	[sflag:s16] =	ssyncadd.s32 $0xFFFF9C00  }
0x42: {  	[spmem:s1] =	stream.indirect.scatter.add.f32 [tilespmem:s15], [sflag:$0x2], $0x20, s14, s14, $0xb8;
	[tilespmem:$0x1F140] =	vst v63  }
0x43: {  	_ =	swait.ge [sflag:s13], $0x6400  }
0x44: {  	[sflag:s13] =	ssyncset.done $0x0  }
0x45: {  	[sflag:s13] =	ssyncadd.s32 $0xFFFF9C00  }
0x46: {  	[tilespmem:s2], [sflag:$0x2] =	stream.linear.gather [hbm4b:s7+s2], $0x190, $0x38;
	[tilespmem:$0x1F140] =	vst v63  }
0x47: {  	_ =	swait.ge [sflag:s13], $0x190  }
0x48: {  	[sflag:s13] =	ssyncset.done $0x0  }
0x49: {  	[sflag:s13] =	ssyncadd.s32 $0xFFFFFE70  }
0x4a: {  	[tilespmem:s14], [sflag:$0x2] =	stream.linear.gather [hbm4b:s8+s2], $0x190, $0x38;
	[tilespmem:$0x1F140] =	vst v63  }
0x4b: {  	_ =	swait.ge [sflag:s13], $0x190  }
0x4c: {  	[sflag:s13] =	ssyncset.done $0x0  }
0x4d: {  	[sflag:s13] =	ssyncadd.s32 $0xFFFFFE70  }
0x4e: {  	[tilespmem:s15], [sflag:$0x1] =	stream.indirect.gather [hbm4b:s6+s17], $0x20, s2, s17, $0xb8;
	[tilespmem:$0x1F140] =	vst v63  }
0x4f: {  	_ =	swait.ge [sflag:s16], $0x3200  }
0x50: {  	[sflag:s16] =	ssyncset.done $0x0  }
0x51: {  	[sflag:s16] =	ssyncadd.s32 $0xFFFFCE00  }
0x52: {  	[spmem:s1] =	stream.indirect.scatter.add.f32 [tilespmem:s15], [sflag:$0x2], $0x20, s14, s17, $0xb8;
	[tilespmem:$0x1F140] =	vst v63  }
0x53: {  	_ =	swait.ge [sflag:s13], $0x3200  }
0x54: {  	s19 =	sadd.s32 $0x1, s19;
	[sflag:s13] =	ssyncset.done $0x0  }
0x55: {  	p0 =	sne.s32 s19, s9;
	[sflag:s13] =	ssyncadd.s32 $0xFFFFCE00  }
.Ltmp1:
0x56: {  	[bflag:$0x0] =	sbarrier.arrive $0xFFFF;
	(pc) =	sbr.rel @p0 .LBB2_1-.Ltmp1, $4  }
0x57: {  	[hbm:s18], [sflag:s5] =	dma.local [spmem:s12], $0x30E0  }
0x58: {  	_ =	swait.ge [sflag:s13], $0x30E0  }
0x59: {  	[sflag:s13] =	ssyncset.done $0x0  }
0x5a: {  	[sflag:s13] =	ssyncadd.s32 $0xFFFFCF20  }
0x5b: {  	_ =	sfence.sel $0x180000  }
0x5c: {  	[bflag:$0x0] =	sbarrier.arrive $0xFFFF  }
0x5d: {  	p0 =	sne.s32 s3, $0x0;
	_ =	strace $0x90000047  }
0x5e: {  	s0 =	sadd.s32 @!p0 $0x100000, s0;
	[bflag:$0x2] =	sbarrier.arrive $0xFFFF  }
0x5f: {  	[sflag:s0] =	ssyncadd.tile.s32 @!p0 $0x1;
	_ =	shalt  }
.Lfunc_end2:
_tile_overlayer_lowered:
.L_overlay_start_2:
0x60: {  	(tag) =	ssettag $0x2  }
0x61: {  	s0 =	rddreg [dreg:$0x0];
	s2 =	stileid.u32  }
0x62: {  	s1 =	rddreg [dreg:$0x1];
	p0 =	sne.s32 s2, $0x0  }
0x63: {  	s3 =	rddreg [dreg:$0x2];
	[bflag:$0x3] =	sbarrier.arrive $0xFFFF;
	s2 =	simm.s32 @!p0 $0x1C02  }
0x64: {  	[timem:s3], [sflag:s2] =	dma.local @!p0 [hbm:s0], s1  }
0x65: {  	s0 =	simm.s32 @!p0 $0x2  }
0x66: {  	_ =	swait.ge @!p0 [sflag:s0], s1  }
0x67: {  	s1 =	ssub.s32 @!p0 $0x0, s1;
	[sflag:s0] =	ssyncset.done @!p0 $0x0  }
0x68: {  	[sflag:s0] =	ssyncadd.s32 @!p0 s1  }
0x69: {  	[bflag:$0x3] =	sbarrier.arrive $0xFFFF  }
0x6a: {  	_ =	shalt  }

// kernel: kernel.17.cloned.1.call-start
scs
__scs_entry_jumppad:
0x0: {  	(pc) =	sbr.rel $0x88, $3  }
0x1: {  	(tag) =	ssettag $0x0;
	lr =	simm.s32 $0x1  }
0x2: {  	[smem:$0x3F97] =	sst lr;
	_ =	strace $0xD0000000  }
0x3: {  	_ = 	snop  }
0x4: {  	_ = 	snop  }
0x5: {  	_ = 	snop  }
0x6: {  	_ = 	snop  }
0x7: {  	_ = 	snop  }
__scs_overlays_trampoline_lowered:
0x8: {  	[smem:$0x3FA6] =	sst s0  }
0x9: {  	[smem:$0x3FA7] =	sst s1  }
0xa: {  	[smem:$0x3FA8] =	sst s2  }
0xb: {  	[smem:$0x3FA9] =	sst s3  }
0xc: {  	[smem:$0x3FAA] =	sst s4  }
0xd: {  	[smem:$0x3FAB] =	sst s5  }
0xe: {  	[smem:$0x3FAC] =	sst s6  }
0xf: {  	[smem:$0x3FAD] =	sst s7  }
0x10: {  	[smem:$0x3FAE] =	sst s8  }
0x11: {  	[smem:$0x3FAF] =	sst s9;
	s0 =	simm.s32 @!p0 $0x0  }
0x12: {  	s1 =	sld [smem:$0x3F95];
	s0 =	simm.s32 @p0 $0x1  }
0x13: {  	[smem:$0x3FB0] =	sst s0;
	s0 =	simm.s32 @!p1 $0x0  }
0x14: {  	s2 =	sld [smem:$0x3F94];
	s0 =	simm.s32 @p1 $0x1  }
0x15: {  	[smem:$0x3FB1] =	sst s0;
	s0 =	simm.s32 @!p2 $0x0  }
0x16: {  	s3 =	sld [smem:$0x3FDB];
	s0 =	simm.s32 @p2 $0x1  }
0x17: {  	s4 =	simm.s32 $0x1BF5;
	[smem:$0x3FB3] =	sst s0  }
0x18: {  	s0 =	sld [smem:$0x3F96];
	_ =	swait.ge [sflag:s4], $0x0  }
0x19: {  	s7 =	sld [smem:$0x3F97]  }
0x1a: {  	s8 =	sadd.s32 $0xFFFFE003, lr  }
0x1b: {  	s9 =	sadd.s32 $0xFFFFFEF7, lr;
	s5 =	simm.s32 $0xFFFFFFFF;
	p2 =	slt.u32 s8, $0xFFFFF086  }
0x1c: {  	p1 =	slt.u32 s9, $0xF7A;
	s5 =	simm.s32 @!p2 $0x0  }
0x1d: {  	s5 =	simm.s32 @p1 $0x1;
	p0 =	seq.s32 s7, s2  }
0x1e: {  	s7 =	smul.u32 @!p0 $0xF7A, s2;
	p2 =	seq.s32 @!p0 s5, $0x0  }
0x1f: {  	s9 =	smul.u32 $0xF7A, s1;
	s8 =	simm.s32 @!p0 $0x1BF5;
	p2 =	por !p2, p0  }
0x20: {  	[sflag:s8] =	ssyncset.s32 @!p0 $0xFFFFF086;
	s6 =	sadd.s32 @!p0 s3, s7;
	s7 =	simm.s32 @!p0 $0x108  }
0x21: {  	s3 =	sadd.s32 s3, s9;
	s6 =	sadd.s32 @!p0 $0x88, s6;
	s7 =	simm.s32 @p2 $0x1082  }
0x22: {  	[simem:s7], [sflag:s8] =	dma.local @!p0 [hbm:s6], $0xF7A  }
0x23: {  	s9 =	sor.u32 $0xD0000000, s2;
	s6 =	simm.s32 $0x108;
	_ =	swait.ge @!p0 [sflag:s8], $0x0  }
0x24: {  	s3 =	sadd.s32 $0x88, s3;
	s6 =	simm.s32 @!p1 $0x1082;
	[sflag:s4] =	ssyncset.s32 $0xFFFFF086  }
0x25: {  	[simem:s6], [sflag:s4] =	dma.local [hbm:s3], $0xF7A  }
0x26: {  	[smem:$0x3F97] =	sst s1;
	(tag) =	ssettag s2;
	_ =	strace s9  }
0x27: {  	s1 =	sld [smem:$0x3FA7]  }
0x28: {  	s2 =	sld [smem:$0x3FA8]  }
0x29: {  	s4 =	sld [smem:$0x3FAA]  }
0x2a: {  	p0 =	seq.s32 s5, $0x0;
	s5 =	sld [smem:$0x3FAB]  }
0x2b: {  	s6 =	sld [smem:$0x3FAC]  }
0x2c: {  	s7 =	sld [smem:$0x3FAD]  }
0x2d: {  	s3 =	simm.s32 $0x108;
	s8 =	sld [smem:$0x3FAE]  }
0x2e: {  	s3 =	simm.s32 @!p0 $0x1082;
	s9 =	sld [smem:$0x3FAF]  }
0x2f: {  	lr =	sadd.s32 s0, s3;
	s0 =	sld [smem:$0x3FA6]  }
0x30: {  	s3 =	sld [smem:$0x3FA9]  }
0x31: {  	[smem:$0x3FB2] =	sst s10  }
0x32: {  	s10 =	sld [smem:$0x3FB0];
	_ =	sdelay $0x3  }
0x33: {  	p0 =	seq.s32 s10, $0x1;
	s10 =	sld [smem:$0x3FB2];
	_ =	sdelay $0x3  }
0x34: {  	[smem:$0x3FB2] =	sst s10  }
0x35: {  	s10 =	sld [smem:$0x3FB1];
	_ =	sdelay $0x3  }
0x36: {  	p1 =	seq.s32 s10, $0x1;
	s10 =	sld [smem:$0x3FB2];
	_ =	sdelay $0x3  }
0x37: {  	[smem:$0x3FB2] =	sst s10  }
0x38: {  	s10 =	sld [smem:$0x3FB3]  }
0x39: {  	_ = 	snop;
	(pc) =	sbr.ind lr, $3  }
0x3a: {  	_ = 	snop  }
0x3b: {  	_ = 	snop  }
0x3c: {  	p2 =	seq.s32 s10, $0x1;
	s10 =	sld [smem:$0x3FB2]  }
0x3d: {  	_ =	shalt  }
0x3e: {  	_ =	shalt  }
0x3f: {  	_ =	shalt  }
0x40: {  	_ =	shalt  }
0x41: {  	_ =	shalt  }
0x42: {  	_ =	shalt  }
0x43: {  	_ =	shalt  }
0x44: {  	_ =	shalt  }
0x45: {  	_ =	shalt  }
0x46: {  	_ =	shalt  }
0x47: {  	_ =	shalt  }
0x48: {  	_ =	shalt  }
0x49: {  	_ =	shalt  }
0x4a: {  	_ =	shalt  }
0x4b: {  	_ =	shalt  }
0x4c: {  	_ =	shalt  }
0x4d: {  	_ =	shalt  }
0x4e: {  	_ =	shalt  }
0x4f: {  	_ =	shalt  }
0x50: {  	_ =	shalt  }
0x51: {  	_ =	shalt  }
0x52: {  	_ =	shalt  }
0x53: {  	_ =	shalt  }
0x54: {  	_ =	shalt  }
0x55: {  	_ =	shalt  }
0x56: {  	_ =	shalt  }
0x57: {  	_ =	shalt  }
0x58: {  	_ =	shalt  }
0x59: {  	_ =	shalt  }
0x5a: {  	_ =	shalt  }
0x5b: {  	_ =	shalt  }
0x5c: {  	_ =	shalt  }
0x5d: {  	_ =	shalt  }
0x5e: {  	_ =	shalt  }
0x5f: {  	_ =	shalt  }
0x60: {  	_ =	shalt  }
0x61: {  	_ =	shalt  }
0x62: {  	_ =	shalt  }
0x63: {  	_ =	shalt  }
0x64: {  	_ =	shalt  }
0x65: {  	_ =	shalt  }
0x66: {  	_ =	shalt  }
0x67: {  	_ =	shalt  }
0x68: {  	_ =	shalt  }
0x69: {  	_ =	shalt  }
0x6a: {  	_ =	shalt  }
0x6b: {  	_ =	shalt  }
0x6c: {  	_ =	shalt  }
0x6d: {  	_ =	shalt  }
0x6e: {  	_ =	shalt  }
0x6f: {  	_ =	shalt  }
0x70: {  	_ =	shalt  }
0x71: {  	_ =	shalt  }
0x72: {  	_ =	shalt  }
0x73: {  	_ =	shalt  }
0x74: {  	_ =	shalt  }
0x75: {  	_ =	shalt  }
0x76: {  	_ =	shalt  }
0x77: {  	_ =	shalt  }
0x78: {  	_ =	shalt  }
0x79: {  	_ =	shalt  }
0x7a: {  	_ =	shalt  }
0x7b: {  	_ =	shalt  }
0x7c: {  	_ =	shalt  }
0x7d: {  	_ =	shalt  }
0x7e: {  	_ =	shalt  }
0x7f: {  	_ =	shalt  }
0x80: {  	_ =	shalt  }
0x81: {  	_ =	shalt  }
0x82: {  	_ =	shalt  }
0x83: {  	_ =	shalt  }
0x84: {  	_ =	shalt  }
0x85: {  	_ =	shalt  }
0x86: {  	_ =	shalt  }
0x87: {  	_ =	shalt  }
.Lfunc_end0:
.L_simem_size_0:
called_computation.1_lowered:
.L_overlay_start_0:
0x88: {  	s2 =	sld [smem:$0x3FD9]  }
0x89: {  	s3 =	sld [smem:$0x3FFE];
	_ =	sdelay $0x1  }
0x8a: {  	s1 =	srdreg.scid  }
0x8b: {  	s0 =	sand.u32 $0x1, s1  }
0x8c: {  	s16 =	sshll.u32 s0, $0xA;
	s2 =	sadd.s32 s3, s2  }
0x8d: {  	s2 =	sadd.s32 s2, s16  }
0x8e: {  	[smem:$0x3FBE] =	sst s2  }
0x8f: {  	_ = 	snop  }
0x90: {  	(tm) =	ssettm $0x1  }
0x91: {  	s17 =	sld [smem:$0x3FFB];
	_ =	sdelay $0x3  }
0x92: {  	_ =	strace s17  }
0x93: {  	s2 =	sld [smem:$0x3FFC];
	_ =	sdelay $0x3  }
0x94: {  	_ =	strace s2  }
0x95: {  	s2 =	sld [smem:$0x3FFD];
	_ =	sdelay $0x3  }
0x96: {  	_ =	strace s2  }
0x97: {  	_ =	strace $0x8FFFFFFF  }
0x98: {  	s18 =	sld [smem:$0x3FDB];
	_ =	sdelay $0x1  }
0x99: {  	s19 =	simm.s32 $_scs_section_size  }
0x9a: {  	s4 =	simm.s32 $_size__tile_overlayer_lowered;
	s5 =	simm.s32 $_tile_overlayer_lowered  }
0x9b: {  	s22 =	simm.s32 $0x1BFF;
	s21 =	sshll.u32 s5, $0x1;
	s2 =	sadd.s32 s19, s18  }
0x9c: {  	s6 =	simm.s32 $0x0;
	s20 =	sshll.u32 s4, $0x1;
	s4 =	sadd.s32 s21, s2  }
0x9d: {  	[timem:s6], [sflag:s22] =	dma.local [hbm:s4], s20  }
0x9e: {  	_ =	swait.ge [sflag:s22], s20  }
0x9f: {  	s3 =	ssub.s32 $0x0, s20;
	[sflag:s22] =	ssyncset.done $0x0  }
0xa0: {  	[sflag:s22] =	ssyncadd.s32 s3;
	_ =	sdelay $0x1  }
0xa1: {  	s23 =	simm.s32 $0x1B8B  }
0xa2: {  	_ =	swait.ge [sflag:s23], $0x1  }
0xa3: {  	[sflag:s23] =	ssyncset.done $0x0  }
0xa4: {  	s25 =	simm.s32 $0x1B8E;
	s24 =	sld [smem:$0x3FFE];
	[sflag:s23] =	ssyncadd.s32 $0xFFFFFFFF  }
0xa5: {  	s26 =	simm.s32 $execute0_lowered;
	[smem:$0x3FD2] =	sst s25  }
0xa6: {  	s4 =	sshll.u32 s26, $0x1;
	_ =	strace $0x80000049;
	[dreg:$0x1] =	wrdreg $0xFFFFFFFF  }
0xa7: {  	s28 =	simm.s32 $_size_execute0_lowered;
	s2 =	sadd.s32 s2, s4;
	[dreg:$0x0] =	wrdreg $0x0  }
0xa8: {  	s4 =	sshll.u32 s28, $0x1;
	[dreg:$0x2] =	wrdreg s2  }
0xa9: {  	[dreg:$0x3] =	wrdreg s4  }
0xaa: {  	[dreg:$0x4] =	wrdreg $0xC0  }
0xab: {  	_ =	task [dreg:s6], $0x5FFFF  }
0xac: {  	[dreg:$0x1] =	wrdreg $0xFFFFFFFF  }
0xad: {  	[dreg:$0x0] =	wrdreg $0x60  }
0xae: {  	[dreg:$0x2] =	wrdreg s24  }
0xaf: {  	[dreg:$0x3] =	wrdreg $0x6A400  }
0xb0: {  	[dreg:$0x4] =	wrdreg $0x9  }
0xb1: {  	_ =	task.clear_ibuf [dreg:s6], $0x5FFFF;
	_ =	strace $0x90000049  }
0xb2: {  	s29 =	simm.s32 $0x9;
	_ =	strace $0x8000004B  }
0xb3: {  	_ =	swait.ge [sflag:s29], $0x1  }
0xb4: {  	[sflag:s29] =	ssyncadd.s32 $0xFFFFFFFF  }
0xb5: {  	_ =	strace $0x9000004B  }
0xb6: {  	_ =	sfence  }
0xb7: {  	s30 =	sld [smem:$0x0];
	_ =	sdelay $0x2  }
0xb8: {  	s31 =	sshll.u32 s1, $0xD;
	s1 =	sshrl.u32 s1, $0x2  }
0xb9: {  	s3 =	sand.u32 $0x4000, s31;
	s1 =	sadd.s32 s1, s30  }
0xba: {  	s0 =	sor.u32 s3, s0;
	s1 =	sshll.u32 s1, $0x11  }
0xbb: {  	s0 =	sor.u32 s1, s0  }
0xbc: {  	s0 =	sadd.s32 $0x8F2B, s0  }
0xbd: {  	[sflag:s0] =	ssyncadd.remote.s32 $0x1  }
0xbe: {  	_ =	sfence.sel $0xFFFF  }
0xbf: {  	[dreg:$0x0] =	wrdreg $0xFFFFFFFF;
	(pc) =	sbr.abs _section_cstart, $3  }
0xc0: {  	[dreg:$0x1] =	wrdreg $0xFFFFFFFF  }
0xc1: {  	_ =	task.clear_ibuf [dreg:s6], $0x2FFFF;
	_ =	strace $0x9FFFFFFF  }
0xc2: {  	(tm) =	ssettm $0x7FFFFFFF  }
0xc3: {  	_ =	shalt  }
tec
execute0_lowered:
.L_overlay_start_1:
0x0: {  	(tag) =	ssettag $0x1  }
0x1: {  	s5 =	rddreg [dreg:$0x0]  }
0x2: {  	s0 =	srdreg.scid;
	s1 =	rddreg [dreg:$0x1];
	s2 =	simm.s32 $0x0  }
0x3: {  	s16 =	simm.s32 $0x1;
	s4 =	sand.u32 $0x1, s0;
	s0 =	rddreg [dreg:$0x2]  }
0x4: {  	s17 =	simm.s32 $0x190;
	[smem:$0x7FF] =	sst s2;
	s11 =	sadd.s32 $0x2800, s5  }
0x5: {  	s10 =	sadd.s32 $0x1B000, s5;
	s3 =	smul.u32 $0x30D40, s4;
	_ =	strace $0x8000004A  }
0x6: {  	s7 =	smul.u32 $0x30E00, s4;
	s8 =	ssub.s32 $0x2, s4;
	s4 =	sadd.s32 $0x33800, s5  }
0x7: {  	s12 =	sshrl.u32 s8, $0x1;
	s6 =	sadd.s32 s3, s5;
	s3 =	stileid.u32  }
0x8: {  	s14 =	sadd.s32 s7, s5;
	s12 =	ssub.s32 s8, s12;
	s9 =	smul.u32 $0x18700, s3  }
0x9: {  	s13 =	smul.u32 $0xC350, s3;
	s28 =	sshll.u32 s3, $0x6;
	s6 =	sadd.s32 $0x35D400, s6  }
0xa: {  	s31 =	smul.u32 $0x186A, s3;
	s18 =	sadd.s32 $0x3BF000, s14;
	s14 =	simm.s32 $0x320  }
0xb: {  	s5 =	sor.u32 $0x1C02, s28;
	s15 =	sadd.s32 s9, s1;
	s29 =	sshrl.u32 s13, $0x3  }
0xc: {  	s19 =	sshrl.u32 s9, $0x3;
	s9 =	smax.u32 s12, $0x1;
	s13 =	simm.s32 $0x2  }
0xd: {  	s30 =	sadd.s32 $0x1838, s29;
	s12 =	sshrl.u32 s15, $0x3;
	s15 =	simm.s32 $0x640  }
0xe: {  	s18 =	sadd.s32 s19, s18;
	s19 =	simm.s32 $0x0;
	s7 =	sadd.s32 s11, s30  }
0xf: {  	s8 =	sadd.s32 s10, s30;
	s10 =	sadd.s32 s31, s10;
	s11 =	sadd.s32 s31, s11  }
.LBB2_1:
0x10: {  	[spmem:s12], [sflag:s5] =	dma.local [hbm:s4], $0x30E0  }
0x11: {  	_ =	swait.ge [sflag:s13], $0x30E0  }
0x12: {  	[sflag:s13] =	ssyncset.done $0x0  }
0x13: {  	[sflag:s13] =	ssyncadd.s32 $0xFFFFCF20  }
0x14: {  	s20 =	sadd.s32 $0x0, s11;
	[bflag:$0x0] =	sbarrier.arrive $0xFFFF  }
0x15: {  	[tilespmem:s2], [sflag:$0x2] =	stream.linear.gather [hbm4b:s20+s2], $0x320, $0x38;
	[tilespmem:$0x1F140] =	vst v63  }
0x16: {  	_ =	swait.ge [sflag:s13], $0x320  }
0x17: {  	[sflag:s13] =	ssyncset.done $0x0  }
0x18: {  	s31 =	sadd.s32 $0x0, s10;
	[sflag:s13] =	ssyncadd.s32 $0xFFFFFCE0  }
0x19: {  	[tilespmem:s14], [sflag:$0x2] =	stream.linear.gather [hbm4b:s31+s2], $0x320, $0x38;
	[tilespmem:$0x1F140] =	vst v63  }
0x1a: {  	_ =	swait.ge [sflag:s13], $0x320  }
0x1b: {  	[sflag:s13] =	ssyncset.done $0x0  }
0x1c: {  	[sflag:s13] =	ssyncadd.s32 $0xFFFFFCE0  }
0x1d: {  	[tilespmem:s15], [sflag:$0x1] =	stream.indirect.gather [hbm4b:s6+s14], $0x20, s2, s14, $0xb8;
	[tilespmem:$0x1F140] =	vst v63  }
0x1e: {  	_ =	swait.ge [sflag:s16], $0x6400  }
0x1f: {  	[sflag:s16] =	ssyncset.done $0x0  }
0x20: {  	[sflag:s16] =	ssyncadd.s32 $0xFFFF9C00  }
0x21: {  	[spmem:s1] =	stream.indirect.scatter.add.f32 [tilespmem:s15], [sflag:$0x2], $0x20, s14, s14, $0xb8;
	[tilespmem:$0x1F140] =	vst v63  }
0x22: {  	_ =	swait.ge [sflag:s13], $0x6400  }
0x23: {  	s21 =	simm.s32 $0xC8;
	s20 =	simm.s32 $0x64;
	[sflag:s13] =	ssyncset.done $0x0  }
.LBB2_2:
0x24: {  	s22 =	sadd.s32 s20, s11  }
0x25: {  	[sflag:s13] =	ssyncadd.s32 $0xFFFF9C00;
	s23 =	smov.u32 s21;
	s24 =	sadd.s32 $0x64, s21  }
0x26: {  	[tilespmem:s2], [sflag:$0x2] =	stream.linear.gather [hbm4b:s22+s2], $0x320, $0x38;
	[tilespmem:$0x1F140] =	vst v63  }
0x27: {  	p0 =	sne.s32 s21, $0x17D4;
	_ =	swait.ge [sflag:s13], $0x320  }
0x28: {  	[sflag:s13] =	ssyncset.done $0x0  }
0x29: {  	s21 =	sadd.s32 s20, s10;
	s20 =	smov.u32 s23;
	[sflag:s13] =	ssyncadd.s32 $0xFFFFFCE0  }
0x2a: {  	[tilespmem:s14], [sflag:$0x2] =	stream.linear.gather [hbm4b:s21+s2], $0x320, $0x38;
	[tilespmem:$0x1F140] =	vst v63  }
0x2b: {  	_ =	swait.ge [sflag:s13], $0x320  }
0x2c: {  	[sflag:s13] =	ssyncset.done $0x0  }
0x2d: {  	[sflag:s13] =	ssyncadd.s32 $0xFFFFFCE0  }
0x2e: {  	[tilespmem:s15], [sflag:$0x1] =	stream.indirect.gather [hbm4b:s6+s14], $0x20, s2, s14, $0xb8;
	[tilespmem:$0x1F140] =	vst v63  }
0x2f: {  	_ =	swait.ge [sflag:s16], $0x6400  }
.Ltmp0:
0x30: {  	[sflag:s16] =	ssyncset.done $0x0;
	(pc) =	sbr.rel @p0 .LBB2_2-.Ltmp0, $4  }
0x31: {  	[sflag:s16] =	ssyncadd.s32 $0xFFFF9C00  }
0x32: {  	[spmem:s1] =	stream.indirect.scatter.add.f32 [tilespmem:s15], [sflag:$0x2], $0x20, s14, s14, $0xb8;
	[tilespmem:$0x1F140] =	vst v63  }
0x33: {  	_ =	swait.ge [sflag:s13], $0x6400  }
0x34: {  	s21 =	smov.u32 s24;
	[sflag:s13] =	ssyncset.done $0x0  }
0x35: {  	s21 =	sadd.s32 s20, s11;
	[sflag:s13] =	ssyncadd.s32 $0xFFFF9C00  }
0x36: {  	[tilespmem:s2], [sflag:$0x2] =	stream.linear.gather [hbm4b:s21+s2], $0x320, $0x38;
	[tilespmem:$0x1F140] =	vst v63  }
0x37: {  	_ =	swait.ge [sflag:s13], $0x320  }
0x38: {  	[sflag:s13] =	ssyncset.done $0x0  }
0x39: {  	s31 =	sadd.s32 s20, s10;
	[sflag:s13] =	ssyncadd.s32 $0xFFFFFCE0  }
0x3a: {  	[tilespmem:s14], [sflag:$0x2] =	stream.linear.gather [hbm4b:s31+s2], $0x320, $0x38;
	[tilespmem:$0x1F140] =	vst v63  }
0x3b: {  	_ =	swait.ge [sflag:s13], $0x320  }
0x3c: {  	[sflag:s13] =	ssyncset.done $0x0  }
0x3d: {  	[sflag:s13] =	ssyncadd.s32 $0xFFFFFCE0  }
0x3e: {  	[tilespmem:s15], [sflag:$0x1] =	stream.indirect.gather [hbm4b:s6+s14], $0x20, s2, s14, $0xb8;
	[tilespmem:$0x1F140] =	vst v63  }
0x3f: {  	_ =	swait.ge [sflag:s16], $0x6400  }
0x40: {  	[sflag:s16] =	ssyncset.done $0x0  }
0x41: {  	[sflag:s16] =	ssyncadd.s32 $0xFFFF9C00  }
0x42: {  	[spmem:s1] =	stream.indirect.scatter.add.f32 [tilespmem:s15], [sflag:$0x2], $0x20, s14, s14, $0xb8;
	[tilespmem:$0x1F140] =	vst v63  }
0x43: {  	_ =	swait.ge [sflag:s13], $0x6400  }
0x44: {  	[sflag:s13] =	ssyncset.done $0x0  }
0x45: {  	[sflag:s13] =	ssyncadd.s32 $0xFFFF9C00  }
0x46: {  	[tilespmem:s2], [sflag:$0x2] =	stream.linear.gather [hbm4b:s7+s2], $0x190, $0x38;
	[tilespmem:$0x1F140] =	vst v63  }
0x47: {  	_ =	swait.ge [sflag:s13], $0x190  }
0x48: {  	[sflag:s13] =	ssyncset.done $0x0  }
0x49: {  	[sflag:s13] =	ssyncadd.s32 $0xFFFFFE70  }
0x4a: {  	[tilespmem:s14], [sflag:$0x2] =	stream.linear.gather [hbm4b:s8+s2], $0x190, $0x38;
	[tilespmem:$0x1F140] =	vst v63  }
0x4b: {  	_ =	swait.ge [sflag:s13], $0x190  }
0x4c: {  	[sflag:s13] =	ssyncset.done $0x0  }
0x4d: {  	[sflag:s13] =	ssyncadd.s32 $0xFFFFFE70  }
0x4e: {  	[tilespmem:s15], [sflag:$0x1] =	stream.indirect.gather [hbm4b:s6+s17], $0x20, s2, s17, $0xb8;
	[tilespmem:$0x1F140] =	vst v63  }
0x4f: {  	_ =	swait.ge [sflag:s16], $0x3200  }
0x50: {  	[sflag:s16] =	ssyncset.done $0x0  }
0x51: {  	[sflag:s16] =	ssyncadd.s32 $0xFFFFCE00  }
0x52: {  	[spmem:s1] =	stream.indirect.scatter.add.f32 [tilespmem:s15], [sflag:$0x2], $0x20, s14, s17, $0xb8;
	[tilespmem:$0x1F140] =	vst v63  }
0x53: {  	_ =	swait.ge [sflag:s13], $0x3200  }
0x54: {  	s19 =	sadd.s32 $0x1, s19;
	[sflag:s13] =	ssyncset.done $0x0  }
0x55: {  	p0 =	sne.s32 s19, s9;
	[sflag:s13] =	ssyncadd.s32 $0xFFFFCE00  }
.Ltmp1:
0x56: {  	[bflag:$0x0] =	sbarrier.arrive $0xFFFF;
	(pc) =	sbr.rel @p0 .LBB2_1-.Ltmp1, $4  }
0x57: {  	[hbm:s18], [sflag:s5] =	dma.local [spmem:s12], $0x30E0  }
0x58: {  	_ =	swait.ge [sflag:s13], $0x30E0  }
0x59: {  	[sflag:s13] =	ssyncset.done $0x0  }
0x5a: {  	[sflag:s13] =	ssyncadd.s32 $0xFFFFCF20  }
0x5b: {  	_ =	sfence.sel $0x180000  }
0x5c: {  	[bflag:$0x0] =	sbarrier.arrive $0xFFFF  }
0x5d: {  	p0 =	sne.s32 s3, $0x0;
	_ =	strace $0x9000004A  }
0x5e: {  	s0 =	sadd.s32 @!p0 $0x100000, s0;
	[bflag:$0x2] =	sbarrier.arrive $0xFFFF  }
0x5f: {  	[sflag:s0] =	ssyncadd.tile.s32 @!p0 $0x1;
	_ =	shalt  }
.Lfunc_end2:
_tile_overlayer_lowered:
.L_overlay_start_2:
0x60: {  	(tag) =	ssettag $0x2  }
0x61: {  	s0 =	rddreg [dreg:$0x0];
	s2 =	stileid.u32  }
0x62: {  	s1 =	rddreg [dreg:$0x1];
	p0 =	sne.s32 s2, $0x0  }
0x63: {  	s3 =	rddreg [dreg:$0x2];
	[bflag:$0x3] =	sbarrier.arrive $0xFFFF;
	s2 =	simm.s32 @!p0 $0x1C02  }
0x64: {  	[timem:s3], [sflag:s2] =	dma.local @!p0 [hbm:s0], s1  }
0x65: {  	s0 =	simm.s32 @!p0 $0x2  }
0x66: {  	_ =	swait.ge @!p0 [sflag:s0], s1  }
0x67: {  	s1 =	ssub.s32 @!p0 $0x0, s1;
	[sflag:s0] =	ssyncset.done @!p0 $0x0  }
0x68: {  	[sflag:s0] =	ssyncadd.s32 @!p0 s1  }
0x69: {  	[bflag:$0x3] =	sbarrier.arrive $0xFFFF  }
0x6a: {  	_ =	shalt  }

// kernel: kernel.20.cloned.1.call-start
scs
__scs_entry_jumppad:
0x0: {  	(pc) =	sbr.rel $0x88, $3  }
0x1: {  	(tag) =	ssettag $0x0;
	lr =	simm.s32 $0x1  }
0x2: {  	[smem:$0x3F97] =	sst lr;
	_ =	strace $0xD0000000  }
0x3: {  	_ = 	snop  }
0x4: {  	_ = 	snop  }
0x5: {  	_ = 	snop  }
0x6: {  	_ = 	snop  }
0x7: {  	_ = 	snop  }
__scs_overlays_trampoline_lowered:
0x8: {  	[smem:$0x3FA6] =	sst s0  }
0x9: {  	[smem:$0x3FA7] =	sst s1  }
0xa: {  	[smem:$0x3FA8] =	sst s2  }
0xb: {  	[smem:$0x3FA9] =	sst s3  }
0xc: {  	[smem:$0x3FAA] =	sst s4  }
0xd: {  	[smem:$0x3FAB] =	sst s5  }
0xe: {  	[smem:$0x3FAC] =	sst s6  }
0xf: {  	[smem:$0x3FAD] =	sst s7  }
0x10: {  	[smem:$0x3FAE] =	sst s8  }
0x11: {  	[smem:$0x3FAF] =	sst s9;
	s0 =	simm.s32 @!p0 $0x0  }
0x12: {  	s1 =	sld [smem:$0x3F95];
	s0 =	simm.s32 @p0 $0x1  }
0x13: {  	[smem:$0x3FB0] =	sst s0;
	s0 =	simm.s32 @!p1 $0x0  }
0x14: {  	s2 =	sld [smem:$0x3F94];
	s0 =	simm.s32 @p1 $0x1  }
0x15: {  	[smem:$0x3FB1] =	sst s0;
	s0 =	simm.s32 @!p2 $0x0  }
0x16: {  	s3 =	sld [smem:$0x3FDB];
	s0 =	simm.s32 @p2 $0x1  }
0x17: {  	s4 =	simm.s32 $0x1BF5;
	[smem:$0x3FB3] =	sst s0  }
0x18: {  	s0 =	sld [smem:$0x3F96];
	_ =	swait.ge [sflag:s4], $0x0  }
0x19: {  	s7 =	sld [smem:$0x3F97]  }
0x1a: {  	s8 =	sadd.s32 $0xFFFFE003, lr  }
0x1b: {  	s9 =	sadd.s32 $0xFFFFFEF7, lr;
	s5 =	simm.s32 $0xFFFFFFFF;
	p2 =	slt.u32 s8, $0xFFFFF086  }
0x1c: {  	p1 =	slt.u32 s9, $0xF7A;
	s5 =	simm.s32 @!p2 $0x0  }
0x1d: {  	s5 =	simm.s32 @p1 $0x1;
	p0 =	seq.s32 s7, s2  }
0x1e: {  	s7 =	smul.u32 @!p0 $0xF7A, s2;
	p2 =	seq.s32 @!p0 s5, $0x0  }
0x1f: {  	s9 =	smul.u32 $0xF7A, s1;
	s8 =	simm.s32 @!p0 $0x1BF5;
	p2 =	por !p2, p0  }
0x20: {  	[sflag:s8] =	ssyncset.s32 @!p0 $0xFFFFF086;
	s6 =	sadd.s32 @!p0 s3, s7;
	s7 =	simm.s32 @!p0 $0x108  }
0x21: {  	s3 =	sadd.s32 s3, s9;
	s6 =	sadd.s32 @!p0 $0x88, s6;
	s7 =	simm.s32 @p2 $0x1082  }
0x22: {  	[simem:s7], [sflag:s8] =	dma.local @!p0 [hbm:s6], $0xF7A  }
0x23: {  	s9 =	sor.u32 $0xD0000000, s2;
	s6 =	simm.s32 $0x108;
	_ =	swait.ge @!p0 [sflag:s8], $0x0  }
0x24: {  	s3 =	sadd.s32 $0x88, s3;
	s6 =	simm.s32 @!p1 $0x1082;
	[sflag:s4] =	ssyncset.s32 $0xFFFFF086  }
0x25: {  	[simem:s6], [sflag:s4] =	dma.local [hbm:s3], $0xF7A  }
0x26: {  	[smem:$0x3F97] =	sst s1;
	(tag) =	ssettag s2;
	_ =	strace s9  }
0x27: {  	s1 =	sld [smem:$0x3FA7]  }
0x28: {  	s2 =	sld [smem:$0x3FA8]  }
0x29: {  	s4 =	sld [smem:$0x3FAA]  }
0x2a: {  	p0 =	seq.s32 s5, $0x0;
	s5 =	sld [smem:$0x3FAB]  }
0x2b: {  	s6 =	sld [smem:$0x3FAC]  }
0x2c: {  	s7 =	sld [smem:$0x3FAD]  }
0x2d: {  	s3 =	simm.s32 $0x108;
	s8 =	sld [smem:$0x3FAE]  }
0x2e: {  	s3 =	simm.s32 @!p0 $0x1082;
	s9 =	sld [smem:$0x3FAF]  }
0x2f: {  	lr =	sadd.s32 s0, s3;
	s0 =	sld [smem:$0x3FA6]  }
0x30: {  	s3 =	sld [smem:$0x3FA9]  }
0x31: {  	[smem:$0x3FB2] =	sst s10  }
0x32: {  	s10 =	sld [smem:$0x3FB0];
	_ =	sdelay $0x3  }
0x33: {  	p0 =	seq.s32 s10, $0x1;
	s10 =	sld [smem:$0x3FB2];
	_ =	sdelay $0x3  }
0x34: {  	[smem:$0x3FB2] =	sst s10  }
0x35: {  	s10 =	sld [smem:$0x3FB1];
	_ =	sdelay $0x3  }
0x36: {  	p1 =	seq.s32 s10, $0x1;
	s10 =	sld [smem:$0x3FB2];
	_ =	sdelay $0x3  }
0x37: {  	[smem:$0x3FB2] =	sst s10  }
0x38: {  	s10 =	sld [smem:$0x3FB3]  }
0x39: {  	_ = 	snop;
	(pc) =	sbr.ind lr, $3  }
0x3a: {  	_ = 	snop  }
0x3b: {  	_ = 	snop  }
0x3c: {  	p2 =	seq.s32 s10, $0x1;
	s10 =	sld [smem:$0x3FB2]  }
0x3d: {  	_ =	shalt  }
0x3e: {  	_ =	shalt  }
0x3f: {  	_ =	shalt  }
0x40: {  	_ =	shalt  }
0x41: {  	_ =	shalt  }
0x42: {  	_ =	shalt  }
0x43: {  	_ =	shalt  }
0x44: {  	_ =	shalt  }
0x45: {  	_ =	shalt  }
0x46: {  	_ =	shalt  }
0x47: {  	_ =	shalt  }
0x48: {  	_ =	shalt  }
0x49: {  	_ =	shalt  }
0x4a: {  	_ =	shalt  }
0x4b: {  	_ =	shalt  }
0x4c: {  	_ =	shalt  }
0x4d: {  	_ =	shalt  }
0x4e: {  	_ =	shalt  }
0x4f: {  	_ =	shalt  }
0x50: {  	_ =	shalt  }
0x51: {  	_ =	shalt  }
0x52: {  	_ =	shalt  }
0x53: {  	_ =	shalt  }
0x54: {  	_ =	shalt  }
0x55: {  	_ =	shalt  }
0x56: {  	_ =	shalt  }
0x57: {  	_ =	shalt  }
0x58: {  	_ =	shalt  }
0x59: {  	_ =	shalt  }
0x5a: {  	_ =	shalt  }
0x5b: {  	_ =	shalt  }
0x5c: {  	_ =	shalt  }
0x5d: {  	_ =	shalt  }
0x5e: {  	_ =	shalt  }
0x5f: {  	_ =	shalt  }
0x60: {  	_ =	shalt  }
0x61: {  	_ =	shalt  }
0x62: {  	_ =	shalt  }
0x63: {  	_ =	shalt  }
0x64: {  	_ =	shalt  }
0x65: {  	_ =	shalt  }
0x66: {  	_ =	shalt  }
0x67: {  	_ =	shalt  }
0x68: {  	_ =	shalt  }
0x69: {  	_ =	shalt  }
0x6a: {  	_ =	shalt  }
0x6b: {  	_ =	shalt  }
0x6c: {  	_ =	shalt  }
0x6d: {  	_ =	shalt  }
0x6e: {  	_ =	shalt  }
0x6f: {  	_ =	shalt  }
0x70: {  	_ =	shalt  }
0x71: {  	_ =	shalt  }
0x72: {  	_ =	shalt  }
0x73: {  	_ =	shalt  }
0x74: {  	_ =	shalt  }
0x75: {  	_ =	shalt  }
0x76: {  	_ =	shalt  }
0x77: {  	_ =	shalt  }
0x78: {  	_ =	shalt  }
0x79: {  	_ =	shalt  }
0x7a: {  	_ =	shalt  }
0x7b: {  	_ =	shalt  }
0x7c: {  	_ =	shalt  }
0x7d: {  	_ =	shalt  }
0x7e: {  	_ =	shalt  }
0x7f: {  	_ =	shalt  }
0x80: {  	_ =	shalt  }
0x81: {  	_ =	shalt  }
0x82: {  	_ =	shalt  }
0x83: {  	_ =	shalt  }
0x84: {  	_ =	shalt  }
0x85: {  	_ =	shalt  }
0x86: {  	_ =	shalt  }
0x87: {  	_ =	shalt  }
.Lfunc_end0:
.L_simem_size_0:
called_computation.2_lowered:
.L_overlay_start_0:
0x88: {  	s2 =	sld [smem:$0x3FD9]  }
0x89: {  	s3 =	sld [smem:$0x3FFE];
	_ =	sdelay $0x1  }
0x8a: {  	s1 =	srdreg.scid  }
0x8b: {  	s0 =	sand.u32 $0x1, s1  }
0x8c: {  	s16 =	sshll.u32 s0, $0xA;
	s2 =	sadd.s32 s3, s2  }
0x8d: {  	s2 =	sadd.s32 s2, s16  }
0x8e: {  	[smem:$0x3FBE] =	sst s2  }
0x8f: {  	_ = 	snop  }
0x90: {  	(tm) =	ssettm $0x1  }
0x91: {  	s17 =	sld [smem:$0x3FFB];
	_ =	sdelay $0x3  }
0x92: {  	_ =	strace s17  }
0x93: {  	s2 =	sld [smem:$0x3FFC];
	_ =	sdelay $0x3  }
0x94: {  	_ =	strace s2  }
0x95: {  	s2 =	sld [smem:$0x3FFD];
	_ =	sdelay $0x3  }
0x96: {  	_ =	strace s2  }
0x97: {  	_ =	strace $0x8FFFFFFF  }
0x98: {  	s18 =	sld [smem:$0x3FDB];
	_ =	sdelay $0x1  }
0x99: {  	s19 =	simm.s32 $_scs_section_size  }
0x9a: {  	s4 =	simm.s32 $_size__tile_overlayer_lowered;
	s5 =	simm.s32 $_tile_overlayer_lowered  }
0x9b: {  	s22 =	simm.s32 $0x1BFF;
	s21 =	sshll.u32 s5, $0x1;
	s2 =	sadd.s32 s19, s18  }
0x9c: {  	s6 =	simm.s32 $0x0;
	s20 =	sshll.u32 s4, $0x1;
	s4 =	sadd.s32 s21, s2  }
0x9d: {  	[timem:s6], [sflag:s22] =	dma.local [hbm:s4], s20  }
0x9e: {  	_ =	swait.ge [sflag:s22], s20  }
0x9f: {  	s3 =	ssub.s32 $0x0, s20;
	[sflag:s22] =	ssyncset.done $0x0  }
0xa0: {  	[sflag:s22] =	ssyncadd.s32 s3;
	_ =	sdelay $0x1  }
0xa1: {  	s23 =	simm.s32 $0x1B8B  }
0xa2: {  	_ =	swait.ge [sflag:s23], $0x1  }
0xa3: {  	[sflag:s23] =	ssyncset.done $0x0  }
0xa4: {  	s25 =	simm.s32 $0x1B8E;
	s24 =	sld [smem:$0x3FFE];
	[sflag:s23] =	ssyncadd.s32 $0xFFFFFFFF  }
0xa5: {  	s26 =	simm.s32 $execute0_lowered;
	[smem:$0x3FD2] =	sst s25  }
0xa6: {  	s4 =	sshll.u32 s26, $0x1;
	_ =	strace $0x8000004C;
	[dreg:$0x1] =	wrdreg $0xFFFFFFFF  }
0xa7: {  	s28 =	simm.s32 $_size_execute0_lowered;
	s2 =	sadd.s32 s2, s4;
	[dreg:$0x0] =	wrdreg $0x0  }
0xa8: {  	s4 =	sshll.u32 s28, $0x1;
	[dreg:$0x2] =	wrdreg s2  }
0xa9: {  	[dreg:$0x3] =	wrdreg s4  }
0xaa: {  	[dreg:$0x4] =	wrdreg $0xC0  }
0xab: {  	_ =	task [dreg:s6], $0x5FFFF  }
0xac: {  	[dreg:$0x1] =	wrdreg $0xFFFFFFFF  }
0xad: {  	[dreg:$0x0] =	wrdreg $0x60  }
0xae: {  	[dreg:$0x2] =	wrdreg s24  }
0xaf: {  	[dreg:$0x3] =	wrdreg $0x6A400  }
0xb0: {  	[dreg:$0x4] =	wrdreg $0x9  }
0xb1: {  	_ =	task.clear_ibuf [dreg:s6], $0x5FFFF;
	_ =	strace $0x9000004C  }
0xb2: {  	s29 =	simm.s32 $0x9;
	_ =	strace $0x8000004E  }
0xb3: {  	_ =	swait.ge [sflag:s29], $0x1  }
0xb4: {  	[sflag:s29] =	ssyncadd.s32 $0xFFFFFFFF  }
0xb5: {  	_ =	strace $0x9000004E  }
0xb6: {  	_ =	sfence  }
0xb7: {  	s30 =	sld [smem:$0x0];
	_ =	sdelay $0x2  }
0xb8: {  	s31 =	sshll.u32 s1, $0xD;
	s1 =	sshrl.u32 s1, $0x2  }
0xb9: {  	s3 =	sand.u32 $0x4000, s31;
	s1 =	sadd.s32 s1, s30  }
0xba: {  	s0 =	sor.u32 s3, s0;
	s1 =	sshll.u32 s1, $0x11  }
0xbb: {  	s0 =	sor.u32 s1, s0  }
0xbc: {  	s0 =	sadd.s32 $0x8F2B, s0  }
0xbd: {  	[sflag:s0] =	ssyncadd.remote.s32 $0x1  }
0xbe: {  	_ =	sfence.sel $0xFFFF  }
0xbf: {  	[dreg:$0x0] =	wrdreg $0xFFFFFFFF;
	(pc) =	sbr.abs _section_cstart, $3  }
0xc0: {  	[dreg:$0x1] =	wrdreg $0xFFFFFFFF  }
0xc1: {  	_ =	task.clear_ibuf [dreg:s6], $0x2FFFF;
	_ =	strace $0x9FFFFFFF  }
0xc2: {  	(tm) =	ssettm $0x7FFFFFFF  }
0xc3: {  	_ =	shalt  }
tec
execute0_lowered:
.L_overlay_start_1:
0x0: {  	(tag) =	ssettag $0x1  }
0x1: {  	s5 =	rddreg [dreg:$0x0]  }
0x2: {  	s0 =	srdreg.scid;
	s1 =	rddreg [dreg:$0x1];
	s2 =	simm.s32 $0x0  }
0x3: {  	s16 =	simm.s32 $0x1;
	s4 =	sand.u32 $0x1, s0;
	s0 =	rddreg [dreg:$0x2]  }
0x4: {  	s17 =	simm.s32 $0x190;
	[smem:$0x7FF] =	sst s2;
	s11 =	sadd.s32 $0x2800, s5  }
0x5: {  	s10 =	sadd.s32 $0x1B000, s5;
	s3 =	smul.u32 $0x30D40, s4;
	_ =	strace $0x8000004D  }
0x6: {  	s7 =	smul.u32 $0x30E00, s4;
	s8 =	ssub.s32 $0x2, s4;
	s4 =	sadd.s32 $0x33800, s5  }
0x7: {  	s12 =	sshrl.u32 s8, $0x1;
	s6 =	sadd.s32 s3, s5;
	s3 =	stileid.u32  }
0x8: {  	s14 =	sadd.s32 s7, s5;
	s12 =	ssub.s32 s8, s12;
	s9 =	smul.u32 $0x18700, s3  }
0x9: {  	s13 =	smul.u32 $0xC350, s3;
	s28 =	sshll.u32 s3, $0x6;
	s6 =	sadd.s32 $0x36A00, s6  }
0xa: {  	s31 =	smul.u32 $0x186A, s3;
	s18 =	sadd.s32 $0x420A00, s14;
	s14 =	simm.s32 $0x320  }
0xb: {  	s5 =	sor.u32 $0x1C02, s28;
	s15 =	sadd.s32 s9, s1;
	s29 =	sshrl.u32 s13, $0x3  }
0xc: {  	s19 =	sshrl.u32 s9, $0x3;
	s9 =	smax.u32 s12, $0x1;
	s13 =	simm.s32 $0x2  }
0xd: {  	s30 =	sadd.s32 $0x1838, s29;
	s12 =	sshrl.u32 s15, $0x3;
	s15 =	simm.s32 $0x640  }
0xe: {  	s18 =	sadd.s32 s19, s18;
	s19 =	simm.s32 $0x0;
	s7 =	sadd.s32 s11, s30  }
0xf: {  	s8 =	sadd.s32 s10, s30;
	s10 =	sadd.s32 s31, s10;
	s11 =	sadd.s32 s31, s11  }
.LBB2_1:
0x10: {  	[spmem:s12], [sflag:s5] =	dma.local [hbm:s4], $0x30E0  }
0x11: {  	_ =	swait.ge [sflag:s13], $0x30E0  }
0x12: {  	[sflag:s13] =	ssyncset.done $0x0  }
0x13: {  	[sflag:s13] =	ssyncadd.s32 $0xFFFFCF20  }
0x14: {  	s20 =	sadd.s32 $0x0, s11;
	[bflag:$0x0] =	sbarrier.arrive $0xFFFF  }
0x15: {  	[tilespmem:s2], [sflag:$0x2] =	stream.linear.gather [hbm4b:s20+s2], $0x320, $0x38;
	[tilespmem:$0x1F140] =	vst v63  }
0x16: {  	_ =	swait.ge [sflag:s13], $0x320  }
0x17: {  	[sflag:s13] =	ssyncset.done $0x0  }
0x18: {  	s31 =	sadd.s32 $0x0, s10;
	[sflag:s13] =	ssyncadd.s32 $0xFFFFFCE0  }
0x19: {  	[tilespmem:s14], [sflag:$0x2] =	stream.linear.gather [hbm4b:s31+s2], $0x320, $0x38;
	[tilespmem:$0x1F140] =	vst v63  }
0x1a: {  	_ =	swait.ge [sflag:s13], $0x320  }
0x1b: {  	[sflag:s13] =	ssyncset.done $0x0  }
0x1c: {  	[sflag:s13] =	ssyncadd.s32 $0xFFFFFCE0  }
0x1d: {  	[tilespmem:s15], [sflag:$0x1] =	stream.indirect.gather [hbm4b:s6+s14], $0x20, s2, s14, $0xb8;
	[tilespmem:$0x1F140] =	vst v63  }
0x1e: {  	_ =	swait.ge [sflag:s16], $0x6400  }
0x1f: {  	[sflag:s16] =	ssyncset.done $0x0  }
0x20: {  	[sflag:s16] =	ssyncadd.s32 $0xFFFF9C00  }
0x21: {  	[spmem:s1] =	stream.indirect.scatter.add.f32 [tilespmem:s15], [sflag:$0x2], $0x20, s14, s14, $0xb8;
	[tilespmem:$0x1F140] =	vst v63  }
0x22: {  	_ =	swait.ge [sflag:s13], $0x6400  }
0x23: {  	s21 =	simm.s32 $0xC8;
	s20 =	simm.s32 $0x64;
	[sflag:s13] =	ssyncset.done $0x0  }
.LBB2_2:
0x24: {  	s22 =	sadd.s32 s20, s11  }
0x25: {  	[sflag:s13] =	ssyncadd.s32 $0xFFFF9C00;
	s23 =	smov.u32 s21;
	s24 =	sadd.s32 $0x64, s21  }
0x26: {  	[tilespmem:s2], [sflag:$0x2] =	stream.linear.gather [hbm4b:s22+s2], $0x320, $0x38;
	[tilespmem:$0x1F140] =	vst v63  }
0x27: {  	p0 =	sne.s32 s21, $0x17D4;
	_ =	swait.ge [sflag:s13], $0x320  }
0x28: {  	[sflag:s13] =	ssyncset.done $0x0  }
0x29: {  	s21 =	sadd.s32 s20, s10;
	s20 =	smov.u32 s23;
	[sflag:s13] =	ssyncadd.s32 $0xFFFFFCE0  }
0x2a: {  	[tilespmem:s14], [sflag:$0x2] =	stream.linear.gather [hbm4b:s21+s2], $0x320, $0x38;
	[tilespmem:$0x1F140] =	vst v63  }
0x2b: {  	_ =	swait.ge [sflag:s13], $0x320  }
0x2c: {  	[sflag:s13] =	ssyncset.done $0x0  }
0x2d: {  	[sflag:s13] =	ssyncadd.s32 $0xFFFFFCE0  }
0x2e: {  	[tilespmem:s15], [sflag:$0x1] =	stream.indirect.gather [hbm4b:s6+s14], $0x20, s2, s14, $0xb8;
	[tilespmem:$0x1F140] =	vst v63  }
0x2f: {  	_ =	swait.ge [sflag:s16], $0x6400  }
.Ltmp0:
0x30: {  	[sflag:s16] =	ssyncset.done $0x0;
	(pc) =	sbr.rel @p0 .LBB2_2-.Ltmp0, $4  }
0x31: {  	[sflag:s16] =	ssyncadd.s32 $0xFFFF9C00  }
0x32: {  	[spmem:s1] =	stream.indirect.scatter.add.f32 [tilespmem:s15], [sflag:$0x2], $0x20, s14, s14, $0xb8;
	[tilespmem:$0x1F140] =	vst v63  }
0x33: {  	_ =	swait.ge [sflag:s13], $0x6400  }
0x34: {  	s21 =	smov.u32 s24;
	[sflag:s13] =	ssyncset.done $0x0  }
0x35: {  	s21 =	sadd.s32 s20, s11;
	[sflag:s13] =	ssyncadd.s32 $0xFFFF9C00  }
0x36: {  	[tilespmem:s2], [sflag:$0x2] =	stream.linear.gather [hbm4b:s21+s2], $0x320, $0x38;
	[tilespmem:$0x1F140] =	vst v63  }
0x37: {  	_ =	swait.ge [sflag:s13], $0x320  }
0x38: {  	[sflag:s13] =	ssyncset.done $0x0  }
0x39: {  	s31 =	sadd.s32 s20, s10;
	[sflag:s13] =	ssyncadd.s32 $0xFFFFFCE0  }
0x3a: {  	[tilespmem:s14], [sflag:$0x2] =	stream.linear.gather [hbm4b:s31+s2], $0x320, $0x38;
	[tilespmem:$0x1F140] =	vst v63  }
0x3b: {  	_ =	swait.ge [sflag:s13], $0x320  }
0x3c: {  	[sflag:s13] =	ssyncset.done $0x0  }
0x3d: {  	[sflag:s13] =	ssyncadd.s32 $0xFFFFFCE0  }
0x3e: {  	[tilespmem:s15], [sflag:$0x1] =	stream.indirect.gather [hbm4b:s6+s14], $0x20, s2, s14, $0xb8;
	[tilespmem:$0x1F140] =	vst v63  }
0x3f: {  	_ =	swait.ge [sflag:s16], $0x6400  }
0x40: {  	[sflag:s16] =	ssyncset.done $0x0  }
0x41: {  	[sflag:s16] =	ssyncadd.s32 $0xFFFF9C00  }
0x42: {  	[spmem:s1] =	stream.indirect.scatter.add.f32 [tilespmem:s15], [sflag:$0x2], $0x20, s14, s14, $0xb8;
	[tilespmem:$0x1F140] =	vst v63  }
0x43: {  	_ =	swait.ge [sflag:s13], $0x6400  }
0x44: {  	[sflag:s13] =	ssyncset.done $0x0  }
0x45: {  	[sflag:s13] =	ssyncadd.s32 $0xFFFF9C00  }
0x46: {  	[tilespmem:s2], [sflag:$0x2] =	stream.linear.gather [hbm4b:s7+s2], $0x190, $0x38;
	[tilespmem:$0x1F140] =	vst v63  }
0x47: {  	_ =	swait.ge [sflag:s13], $0x190  }
0x48: {  	[sflag:s13] =	ssyncset.done $0x0  }
0x49: {  	[sflag:s13] =	ssyncadd.s32 $0xFFFFFE70  }
0x4a: {  	[tilespmem:s14], [sflag:$0x2] =	stream.linear.gather [hbm4b:s8+s2], $0x190, $0x38;
	[tilespmem:$0x1F140] =	vst v63  }
0x4b: {  	_ =	swait.ge [sflag:s13], $0x190  }
0x4c: {  	[sflag:s13] =	ssyncset.done $0x0  }
0x4d: {  	[sflag:s13] =	ssyncadd.s32 $0xFFFFFE70  }
0x4e: {  	[tilespmem:s15], [sflag:$0x1] =	stream.indirect.gather [hbm4b:s6+s17], $0x20, s2, s17, $0xb8;
	[tilespmem:$0x1F140] =	vst v63  }
0x4f: {  	_ =	swait.ge [sflag:s16], $0x3200  }
0x50: {  	[sflag:s16] =	ssyncset.done $0x0  }
0x51: {  	[sflag:s16] =	ssyncadd.s32 $0xFFFFCE00  }
0x52: {  	[spmem:s1] =	stream.indirect.scatter.add.f32 [tilespmem:s15], [sflag:$0x2], $0x20, s14, s17, $0xb8;
	[tilespmem:$0x1F140] =	vst v63  }
0x53: {  	_ =	swait.ge [sflag:s13], $0x3200  }
0x54: {  	s19 =	sadd.s32 $0x1, s19;
	[sflag:s13] =	ssyncset.done $0x0  }
0x55: {  	p0 =	sne.s32 s19, s9;
	[sflag:s13] =	ssyncadd.s32 $0xFFFFCE00  }
.Ltmp1:
0x56: {  	[bflag:$0x0] =	sbarrier.arrive $0xFFFF;
	(pc) =	sbr.rel @p0 .LBB2_1-.Ltmp1, $4  }
0x57: {  	[hbm:s18], [sflag:s5] =	dma.local [spmem:s12], $0x30E0  }
0x58: {  	_ =	swait.ge [sflag:s13], $0x30E0  }
0x59: {  	[sflag:s13] =	ssyncset.done $0x0  }
0x5a: {  	[sflag:s13] =	ssyncadd.s32 $0xFFFFCF20  }
0x5b: {  	_ =	sfence.sel $0x180000  }
0x5c: {  	[bflag:$0x0] =	sbarrier.arrive $0xFFFF  }
0x5d: {  	p0 =	sne.s32 s3, $0x0;
	_ =	strace $0x9000004D  }
0x5e: {  	s0 =	sadd.s32 @!p0 $0x100000, s0;
	[bflag:$0x2] =	sbarrier.arrive $0xFFFF  }
0x5f: {  	[sflag:s0] =	ssyncadd.tile.s32 @!p0 $0x1;
	_ =	shalt  }
.Lfunc_end2:
_tile_overlayer_lowered:
.L_overlay_start_2:
0x60: {  	(tag) =	ssettag $0x2  }
0x61: {  	s0 =	rddreg [dreg:$0x0];
	s2 =	stileid.u32  }
0x62: {  	s1 =	rddreg [dreg:$0x1];
	p0 =	sne.s32 s2, $0x0  }
0x63: {  	s3 =	rddreg [dreg:$0x2];
	[bflag:$0x3] =	sbarrier.arrive $0xFFFF;
	s2 =	simm.s32 @!p0 $0x1C02  }
0x64: {  	[timem:s3], [sflag:s2] =	dma.local @!p0 [hbm:s0], s1  }
0x65: {  	s0 =	simm.s32 @!p0 $0x2  }
0x66: {  	_ =	swait.ge @!p0 [sflag:s0], s1  }
0x67: {  	s1 =	ssub.s32 @!p0 $0x0, s1;
	[sflag:s0] =	ssyncset.done @!p0 $0x0  }
0x68: {  	[sflag:s0] =	ssyncadd.s32 @!p0 s1  }
0x69: {  	[bflag:$0x3] =	sbarrier.arrive $0xFFFF  }
0x6a: {  	_ =	shalt  }

// kernel: kernel.23.cloned.1.call-start
scs
__scs_entry_jumppad:
0x0: {  	(pc) =	sbr.rel $0x88, $3  }
0x1: {  	(tag) =	ssettag $0x0;
	lr =	simm.s32 $0x1  }
0x2: {  	[smem:$0x3F97] =	sst lr;
	_ =	strace $0xD0000000  }
0x3: {  	_ = 	snop  }
0x4: {  	_ = 	snop  }
0x5: {  	_ = 	snop  }
0x6: {  	_ = 	snop  }
0x7: {  	_ = 	snop  }
__scs_overlays_trampoline_lowered:
0x8: {  	[smem:$0x3FA6] =	sst s0  }
0x9: {  	[smem:$0x3FA7] =	sst s1  }
0xa: {  	[smem:$0x3FA8] =	sst s2  }
0xb: {  	[smem:$0x3FA9] =	sst s3  }
0xc: {  	[smem:$0x3FAA] =	sst s4  }
0xd: {  	[smem:$0x3FAB] =	sst s5  }
0xe: {  	[smem:$0x3FAC] =	sst s6  }
0xf: {  	[smem:$0x3FAD] =	sst s7  }
0x10: {  	[smem:$0x3FAE] =	sst s8  }
0x11: {  	[smem:$0x3FAF] =	sst s9;
	s0 =	simm.s32 @!p0 $0x0  }
0x12: {  	s1 =	sld [smem:$0x3F95];
	s0 =	simm.s32 @p0 $0x1  }
0x13: {  	[smem:$0x3FB0] =	sst s0;
	s0 =	simm.s32 @!p1 $0x0  }
0x14: {  	s2 =	sld [smem:$0x3F94];
	s0 =	simm.s32 @p1 $0x1  }
0x15: {  	[smem:$0x3FB1] =	sst s0;
	s0 =	simm.s32 @!p2 $0x0  }
0x16: {  	s3 =	sld [smem:$0x3FDB];
	s0 =	simm.s32 @p2 $0x1  }
0x17: {  	s4 =	simm.s32 $0x1BF5;
	[smem:$0x3FB3] =	sst s0  }
0x18: {  	s0 =	sld [smem:$0x3F96];
	_ =	swait.ge [sflag:s4], $0x0  }
0x19: {  	s7 =	sld [smem:$0x3F97]  }
0x1a: {  	s8 =	sadd.s32 $0xFFFFE003, lr  }
0x1b: {  	s9 =	sadd.s32 $0xFFFFFEF7, lr;
	s5 =	simm.s32 $0xFFFFFFFF;
	p2 =	slt.u32 s8, $0xFFFFF086  }
0x1c: {  	p1 =	slt.u32 s9, $0xF7A;
	s5 =	simm.s32 @!p2 $0x0  }
0x1d: {  	s5 =	simm.s32 @p1 $0x1;
	p0 =	seq.s32 s7, s2  }
0x1e: {  	s7 =	smul.u32 @!p0 $0xF7A, s2;
	p2 =	seq.s32 @!p0 s5, $0x0  }
0x1f: {  	s9 =	smul.u32 $0xF7A, s1;
	s8 =	simm.s32 @!p0 $0x1BF5;
	p2 =	por !p2, p0  }
0x20: {  	[sflag:s8] =	ssyncset.s32 @!p0 $0xFFFFF086;
	s6 =	sadd.s32 @!p0 s3, s7;
	s7 =	simm.s32 @!p0 $0x108  }
0x21: {  	s3 =	sadd.s32 s3, s9;
	s6 =	sadd.s32 @!p0 $0x88, s6;
	s7 =	simm.s32 @p2 $0x1082  }
0x22: {  	[simem:s7], [sflag:s8] =	dma.local @!p0 [hbm:s6], $0xF7A  }
0x23: {  	s9 =	sor.u32 $0xD0000000, s2;
	s6 =	simm.s32 $0x108;
	_ =	swait.ge @!p0 [sflag:s8], $0x0  }
0x24: {  	s3 =	sadd.s32 $0x88, s3;
	s6 =	simm.s32 @!p1 $0x1082;
	[sflag:s4] =	ssyncset.s32 $0xFFFFF086  }
0x25: {  	[simem:s6], [sflag:s4] =	dma.local [hbm:s3], $0xF7A  }
0x26: {  	[smem:$0x3F97] =	sst s1;
	(tag) =	ssettag s2;
	_ =	strace s9  }
0x27: {  	s1 =	sld [smem:$0x3FA7]  }
0x28: {  	s2 =	sld [smem:$0x3FA8]  }
0x29: {  	s4 =	sld [smem:$0x3FAA]  }
0x2a: {  	p0 =	seq.s32 s5, $0x0;
	s5 =	sld [smem:$0x3FAB]  }
0x2b: {  	s6 =	sld [smem:$0x3FAC]  }
0x2c: {  	s7 =	sld [smem:$0x3FAD]  }
0x2d: {  	s3 =	simm.s32 $0x108;
	s8 =	sld [smem:$0x3FAE]  }
0x2e: {  	s3 =	simm.s32 @!p0 $0x1082;
	s9 =	sld [smem:$0x3FAF]  }
0x2f: {  	lr =	sadd.s32 s0, s3;
	s0 =	sld [smem:$0x3FA6]  }
0x30: {  	s3 =	sld [smem:$0x3FA9]  }
0x31: {  	[smem:$0x3FB2] =	sst s10  }
0x32: {  	s10 =	sld [smem:$0x3FB0];
	_ =	sdelay $0x3  }
0x33: {  	p0 =	seq.s32 s10, $0x1;
	s10 =	sld [smem:$0x3FB2];
	_ =	sdelay $0x3  }
0x34: {  	[smem:$0x3FB2] =	sst s10  }
0x35: {  	s10 =	sld [smem:$0x3FB1];
	_ =	sdelay $0x3  }
0x36: {  	p1 =	seq.s32 s10, $0x1;
	s10 =	sld [smem:$0x3FB2];
	_ =	sdelay $0x3  }
0x37: {  	[smem:$0x3FB2] =	sst s10  }
0x38: {  	s10 =	sld [smem:$0x3FB3]  }
0x39: {  	_ = 	snop;
	(pc) =	sbr.ind lr, $3  }
0x3a: {  	_ = 	snop  }
0x3b: {  	_ = 	snop  }
0x3c: {  	p2 =	seq.s32 s10, $0x1;
	s10 =	sld [smem:$0x3FB2]  }
0x3d: {  	_ =	shalt  }
0x3e: {  	_ =	shalt  }
0x3f: {  	_ =	shalt  }
0x40: {  	_ =	shalt  }
0x41: {  	_ =	shalt  }
0x42: {  	_ =	shalt  }
0x43: {  	_ =	shalt  }
0x44: {  	_ =	shalt  }
0x45: {  	_ =	shalt  }
0x46: {  	_ =	shalt  }
0x47: {  	_ =	shalt  }
0x48: {  	_ =	shalt  }
0x49: {  	_ =	shalt  }
0x4a: {  	_ =	shalt  }
0x4b: {  	_ =	shalt  }
0x4c: {  	_ =	shalt  }
0x4d: {  	_ =	shalt  }
0x4e: {  	_ =	shalt  }
0x4f: {  	_ =	shalt  }
0x50: {  	_ =	shalt  }
0x51: {  	_ =	shalt  }
0x52: {  	_ =	shalt  }
0x53: {  	_ =	shalt  }
0x54: {  	_ =	shalt  }
0x55: {  	_ =	shalt  }
0x56: {  	_ =	shalt  }
0x57: {  	_ =	shalt  }
0x58: {  	_ =	shalt  }
0x59: {  	_ =	shalt  }
0x5a: {  	_ =	shalt  }
0x5b: {  	_ =	shalt  }
0x5c: {  	_ =	shalt  }
0x5d: {  	_ =	shalt  }
0x5e: {  	_ =	shalt  }
0x5f: {  	_ =	shalt  }
0x60: {  	_ =	shalt  }
0x61: {  	_ =	shalt  }
0x62: {  	_ =	shalt  }
0x63: {  	_ =	shalt  }
0x64: {  	_ =	shalt  }
0x65: {  	_ =	shalt  }
0x66: {  	_ =	shalt  }
0x67: {  	_ =	shalt  }
0x68: {  	_ =	shalt  }
0x69: {  	_ =	shalt  }
0x6a: {  	_ =	shalt  }
0x6b: {  	_ =	shalt  }
0x6c: {  	_ =	shalt  }
0x6d: {  	_ =	shalt  }
0x6e: {  	_ =	shalt  }
0x6f: {  	_ =	shalt  }
0x70: {  	_ =	shalt  }
0x71: {  	_ =	shalt  }
0x72: {  	_ =	shalt  }
0x73: {  	_ =	shalt  }
0x74: {  	_ =	shalt  }
0x75: {  	_ =	shalt  }
0x76: {  	_ =	shalt  }
0x77: {  	_ =	shalt  }
0x78: {  	_ =	shalt  }
0x79: {  	_ =	shalt  }
0x7a: {  	_ =	shalt  }
0x7b: {  	_ =	shalt  }
0x7c: {  	_ =	shalt  }
0x7d: {  	_ =	shalt  }
0x7e: {  	_ =	shalt  }
0x7f: {  	_ =	shalt  }
0x80: {  	_ =	shalt  }
0x81: {  	_ =	shalt  }
0x82: {  	_ =	shalt  }
0x83: {  	_ =	shalt  }
0x84: {  	_ =	shalt  }
0x85: {  	_ =	shalt  }
0x86: {  	_ =	shalt  }
0x87: {  	_ =	shalt  }
.Lfunc_end0:
.L_simem_size_0:
called_computation.3_lowered:
.L_overlay_start_0:
0x88: {  	s2 =	sld [smem:$0x3FD9]  }
0x89: {  	s3 =	sld [smem:$0x3FFE];
	_ =	sdelay $0x1  }
0x8a: {  	s1 =	srdreg.scid  }
0x8b: {  	s0 =	sand.u32 $0x1, s1  }
0x8c: {  	s16 =	sshll.u32 s0, $0xA;
	s2 =	sadd.s32 s3, s2  }
0x8d: {  	s2 =	sadd.s32 s2, s16  }
0x8e: {  	[smem:$0x3FBE] =	sst s2  }
0x8f: {  	_ = 	snop  }
0x90: {  	(tm) =	ssettm $0x1  }
0x91: {  	s17 =	sld [smem:$0x3FFB];
	_ =	sdelay $0x3  }
0x92: {  	_ =	strace s17  }
0x93: {  	s2 =	sld [smem:$0x3FFC];
	_ =	sdelay $0x3  }
0x94: {  	_ =	strace s2  }
0x95: {  	s2 =	sld [smem:$0x3FFD];
	_ =	sdelay $0x3  }
0x96: {  	_ =	strace s2  }
0x97: {  	_ =	strace $0x8FFFFFFF  }
0x98: {  	s18 =	sld [smem:$0x3FDB];
	_ =	sdelay $0x1  }
0x99: {  	s19 =	simm.s32 $_scs_section_size  }
0x9a: {  	s4 =	simm.s32 $_size__tile_overlayer_lowered;
	s5 =	simm.s32 $_tile_overlayer_lowered  }
0x9b: {  	s22 =	simm.s32 $0x1BFF;
	s21 =	sshll.u32 s5, $0x1;
	s2 =	sadd.s32 s19, s18  }
0x9c: {  	s6 =	simm.s32 $0x0;
	s20 =	sshll.u32 s4, $0x1;
	s4 =	sadd.s32 s21, s2  }
0x9d: {  	[timem:s6], [sflag:s22] =	dma.local [hbm:s4], s20  }
0x9e: {  	_ =	swait.ge [sflag:s22], s20  }
0x9f: {  	s3 =	ssub.s32 $0x0, s20;
	[sflag:s22] =	ssyncset.done $0x0  }
0xa0: {  	[sflag:s22] =	ssyncadd.s32 s3;
	_ =	sdelay $0x1  }
0xa1: {  	s23 =	simm.s32 $0x1B8B  }
0xa2: {  	_ =	swait.ge [sflag:s23], $0x1  }
0xa3: {  	[sflag:s23] =	ssyncset.done $0x0  }
0xa4: {  	s25 =	simm.s32 $0x1B8E;
	s24 =	sld [smem:$0x3FFE];
	[sflag:s23] =	ssyncadd.s32 $0xFFFFFFFF  }
0xa5: {  	s26 =	simm.s32 $execute0_lowered;
	[smem:$0x3FD2] =	sst s25  }
0xa6: {  	s4 =	sshll.u32 s26, $0x1;
	_ =	strace $0x8000004F;
	[dreg:$0x1] =	wrdreg $0xFFFFFFFF  }
0xa7: {  	s28 =	simm.s32 $_size_execute0_lowered;
	s2 =	sadd.s32 s2, s4;
	[dreg:$0x0] =	wrdreg $0x0  }
0xa8: {  	s4 =	sshll.u32 s28, $0x1;
	[dreg:$0x2] =	wrdreg s2  }
0xa9: {  	[dreg:$0x3] =	wrdreg s4  }
0xaa: {  	[dreg:$0x4] =	wrdreg $0xC0  }
0xab: {  	_ =	task [dreg:s6], $0x5FFFF  }
0xac: {  	[dreg:$0x1] =	wrdreg $0xFFFFFFFF  }
0xad: {  	[dreg:$0x0] =	wrdreg $0x60  }
0xae: {  	[dreg:$0x2] =	wrdreg s24  }
0xaf: {  	[dreg:$0x3] =	wrdreg $0x6A400  }
0xb0: {  	[dreg:$0x4] =	wrdreg $0x9  }
0xb1: {  	_ =	task.clear_ibuf [dreg:s6], $0x5FFFF;
	_ =	strace $0x9000004F  }
0xb2: {  	s29 =	simm.s32 $0x9;
	_ =	strace $0x80000051  }
0xb3: {  	_ =	swait.ge [sflag:s29], $0x1  }
0xb4: {  	[sflag:s29] =	ssyncadd.s32 $0xFFFFFFFF  }
0xb5: {  	_ =	strace $0x90000051  }
0xb6: {  	_ =	sfence  }
0xb7: {  	s30 =	sld [smem:$0x0];
	_ =	sdelay $0x2  }
0xb8: {  	s31 =	sshll.u32 s1, $0xD;
	s1 =	sshrl.u32 s1, $0x2  }
0xb9: {  	s3 =	sand.u32 $0x4000, s31;
	s1 =	sadd.s32 s1, s30  }
0xba: {  	s0 =	sor.u32 s3, s0;
	s1 =	sshll.u32 s1, $0x11  }
0xbb: {  	s0 =	sor.u32 s1, s0  }
0xbc: {  	s0 =	sadd.s32 $0x8F2B, s0  }
0xbd: {  	[sflag:s0] =	ssyncadd.remote.s32 $0x1  }
0xbe: {  	_ =	sfence.sel $0xFFFF  }
0xbf: {  	[dreg:$0x0] =	wrdreg $0xFFFFFFFF;
	(pc) =	sbr.abs _section_cstart, $3  }
0xc0: {  	[dreg:$0x1] =	wrdreg $0xFFFFFFFF  }
0xc1: {  	_ =	task.clear_ibuf [dreg:s6], $0x2FFFF;
	_ =	strace $0x9FFFFFFF  }
0xc2: {  	(tm) =	ssettm $0x7FFFFFFF  }
0xc3: {  	_ =	shalt  }
tec
execute0_lowered:
.L_overlay_start_1:
0x0: {  	(tag) =	ssettag $0x1  }
0x1: {  	s5 =	rddreg [dreg:$0x0]  }
0x2: {  	s0 =	srdreg.scid;
	s1 =	rddreg [dreg:$0x1];
	s2 =	simm.s32 $0x0  }
0x3: {  	s16 =	simm.s32 $0x1;
	s4 =	sand.u32 $0x1, s0;
	s0 =	rddreg [dreg:$0x2]  }
0x4: {  	s17 =	simm.s32 $0x190;
	[smem:$0x7FF] =	sst s2;
	s11 =	sadd.s32 $0x2800, s5  }
0x5: {  	s10 =	sadd.s32 $0x1B000, s5;
	s3 =	smul.u32 $0x30D40, s4;
	_ =	strace $0x80000050  }
0x6: {  	s7 =	smul.u32 $0x30E00, s4;
	s8 =	ssub.s32 $0x2, s4;
	s4 =	sadd.s32 $0x33800, s5  }
0x7: {  	s12 =	sshrl.u32 s8, $0x1;
	s6 =	sadd.s32 s3, s5;
	s3 =	stileid.u32  }
0x8: {  	s14 =	sadd.s32 s7, s5;
	s12 =	ssub.s32 s8, s12;
	s9 =	smul.u32 $0x18700, s3  }
0x9: {  	s13 =	smul.u32 $0xC350, s3;
	s28 =	sshll.u32 s3, $0x6;
	s6 =	sadd.s32 $0x35D400, s6  }
0xa: {  	s31 =	smul.u32 $0x186A, s3;
	s18 =	sadd.s32 $0x3BF000, s14;
	s14 =	simm.s32 $0x320  }
0xb: {  	s5 =	sor.u32 $0x1C02, s28;
	s15 =	sadd.s32 s9, s1;
	s29 =	sshrl.u32 s13, $0x3  }
0xc: {  	s19 =	sshrl.u32 s9, $0x3;
	s9 =	smax.u32 s12, $0x1;
	s13 =	simm.s32 $0x2  }
0xd: {  	s30 =	sadd.s32 $0x1838, s29;
	s12 =	sshrl.u32 s15, $0x3;
	s15 =	simm.s32 $0x640  }
0xe: {  	s18 =	sadd.s32 s19, s18;
	s19 =	simm.s32 $0x0;
	s7 =	sadd.s32 s11, s30  }
0xf: {  	s8 =	sadd.s32 s10, s30;
	s10 =	sadd.s32 s31, s10;
	s11 =	sadd.s32 s31, s11  }
.LBB2_1:
0x10: {  	[spmem:s12], [sflag:s5] =	dma.local [hbm:s4], $0x30E0  }
0x11: {  	_ =	swait.ge [sflag:s13], $0x30E0  }
0x12: {  	[sflag:s13] =	ssyncset.done $0x0  }
0x13: {  	[sflag:s13] =	ssyncadd.s32 $0xFFFFCF20  }
0x14: {  	s20 =	sadd.s32 $0x0, s11;
	[bflag:$0x0] =	sbarrier.arrive $0xFFFF  }
0x15: {  	[tilespmem:s2], [sflag:$0x2] =	stream.linear.gather [hbm4b:s20+s2], $0x320, $0x38;
	[tilespmem:$0x1F140] =	vst v63  }
0x16: {  	_ =	swait.ge [sflag:s13], $0x320  }
0x17: {  	[sflag:s13] =	ssyncset.done $0x0  }
0x18: {  	s31 =	sadd.s32 $0x0, s10;
	[sflag:s13] =	ssyncadd.s32 $0xFFFFFCE0  }
0x19: {  	[tilespmem:s14], [sflag:$0x2] =	stream.linear.gather [hbm4b:s31+s2], $0x320, $0x38;
	[tilespmem:$0x1F140] =	vst v63  }
0x1a: {  	_ =	swait.ge [sflag:s13], $0x320  }
0x1b: {  	[sflag:s13] =	ssyncset.done $0x0  }
0x1c: {  	[sflag:s13] =	ssyncadd.s32 $0xFFFFFCE0  }
0x1d: {  	[tilespmem:s15], [sflag:$0x1] =	stream.indirect.gather [hbm4b:s6+s14], $0x20, s2, s14, $0xb8;
	[tilespmem:$0x1F140] =	vst v63  }
0x1e: {  	_ =	swait.ge [sflag:s16], $0x6400  }
0x1f: {  	[sflag:s16] =	ssyncset.done $0x0  }
0x20: {  	[sflag:s16] =	ssyncadd.s32 $0xFFFF9C00  }
0x21: {  	[spmem:s1] =	stream.indirect.scatter.add.f32 [tilespmem:s15], [sflag:$0x2], $0x20, s14, s14, $0xb8;
	[tilespmem:$0x1F140] =	vst v63  }
0x22: {  	_ =	swait.ge [sflag:s13], $0x6400  }
0x23: {  	s21 =	simm.s32 $0xC8;
	s20 =	simm.s32 $0x64;
	[sflag:s13] =	ssyncset.done $0x0  }
.LBB2_2:
0x24: {  	s22 =	sadd.s32 s20, s11  }
0x25: {  	[sflag:s13] =	ssyncadd.s32 $0xFFFF9C00;
	s23 =	smov.u32 s21;
	s24 =	sadd.s32 $0x64, s21  }
0x26: {  	[tilespmem:s2], [sflag:$0x2] =	stream.linear.gather [hbm4b:s22+s2], $0x320, $0x38;
	[tilespmem:$0x1F140] =	vst v63  }
0x27: {  	p0 =	sne.s32 s21, $0x17D4;
	_ =	swait.ge [sflag:s13], $0x320  }
0x28: {  	[sflag:s13] =	ssyncset.done $0x0  }
0x29: {  	s21 =	sadd.s32 s20, s10;
	s20 =	smov.u32 s23;
	[sflag:s13] =	ssyncadd.s32 $0xFFFFFCE0  }
0x2a: {  	[tilespmem:s14], [sflag:$0x2] =	stream.linear.gather [hbm4b:s21+s2], $0x320, $0x38;
	[tilespmem:$0x1F140] =	vst v63  }
0x2b: {  	_ =	swait.ge [sflag:s13], $0x320  }
0x2c: {  	[sflag:s13] =	ssyncset.done $0x0  }
0x2d: {  	[sflag:s13] =	ssyncadd.s32 $0xFFFFFCE0  }
0x2e: {  	[tilespmem:s15], [sflag:$0x1] =	stream.indirect.gather [hbm4b:s6+s14], $0x20, s2, s14, $0xb8;
	[tilespmem:$0x1F140] =	vst v63  }
0x2f: {  	_ =	swait.ge [sflag:s16], $0x6400  }
.Ltmp0:
0x30: {  	[sflag:s16] =	ssyncset.done $0x0;
	(pc) =	sbr.rel @p0 .LBB2_2-.Ltmp0, $4  }
0x31: {  	[sflag:s16] =	ssyncadd.s32 $0xFFFF9C00  }
0x32: {  	[spmem:s1] =	stream.indirect.scatter.add.f32 [tilespmem:s15], [sflag:$0x2], $0x20, s14, s14, $0xb8;
	[tilespmem:$0x1F140] =	vst v63  }
0x33: {  	_ =	swait.ge [sflag:s13], $0x6400  }
0x34: {  	s21 =	smov.u32 s24;
	[sflag:s13] =	ssyncset.done $0x0  }
0x35: {  	s21 =	sadd.s32 s20, s11;
	[sflag:s13] =	ssyncadd.s32 $0xFFFF9C00  }
0x36: {  	[tilespmem:s2], [sflag:$0x2] =	stream.linear.gather [hbm4b:s21+s2], $0x320, $0x38;
	[tilespmem:$0x1F140] =	vst v63  }
0x37: {  	_ =	swait.ge [sflag:s13], $0x320  }
0x38: {  	[sflag:s13] =	ssyncset.done $0x0  }
0x39: {  	s31 =	sadd.s32 s20, s10;
	[sflag:s13] =	ssyncadd.s32 $0xFFFFFCE0  }
0x3a: {  	[tilespmem:s14], [sflag:$0x2] =	stream.linear.gather [hbm4b:s31+s2], $0x320, $0x38;
	[tilespmem:$0x1F140] =	vst v63  }
0x3b: {  	_ =	swait.ge [sflag:s13], $0x320  }
0x3c: {  	[sflag:s13] =	ssyncset.done $0x0  }
0x3d: {  	[sflag:s13] =	ssyncadd.s32 $0xFFFFFCE0  }
0x3e: {  	[tilespmem:s15], [sflag:$0x1] =	stream.indirect.gather [hbm4b:s6+s14], $0x20, s2, s14, $0xb8;
	[tilespmem:$0x1F140] =	vst v63  }
0x3f: {  	_ =	swait.ge [sflag:s16], $0x6400  }
0x40: {  	[sflag:s16] =	ssyncset.done $0x0  }
0x41: {  	[sflag:s16] =	ssyncadd.s32 $0xFFFF9C00  }
0x42: {  	[spmem:s1] =	stream.indirect.scatter.add.f32 [tilespmem:s15], [sflag:$0x2], $0x20, s14, s14, $0xb8;
	[tilespmem:$0x1F140] =	vst v63  }
0x43: {  	_ =	swait.ge [sflag:s13], $0x6400  }
0x44: {  	[sflag:s13] =	ssyncset.done $0x0  }
0x45: {  	[sflag:s13] =	ssyncadd.s32 $0xFFFF9C00  }
0x46: {  	[tilespmem:s2], [sflag:$0x2] =	stream.linear.gather [hbm4b:s7+s2], $0x190, $0x38;
	[tilespmem:$0x1F140] =	vst v63  }
0x47: {  	_ =	swait.ge [sflag:s13], $0x190  }
0x48: {  	[sflag:s13] =	ssyncset.done $0x0  }
0x49: {  	[sflag:s13] =	ssyncadd.s32 $0xFFFFFE70  }
0x4a: {  	[tilespmem:s14], [sflag:$0x2] =	stream.linear.gather [hbm4b:s8+s2], $0x190, $0x38;
	[tilespmem:$0x1F140] =	vst v63  }
0x4b: {  	_ =	swait.ge [sflag:s13], $0x190  }
0x4c: {  	[sflag:s13] =	ssyncset.done $0x0  }
0x4d: {  	[sflag:s13] =	ssyncadd.s32 $0xFFFFFE70  }
0x4e: {  	[tilespmem:s15], [sflag:$0x1] =	stream.indirect.gather [hbm4b:s6+s17], $0x20, s2, s17, $0xb8;
	[tilespmem:$0x1F140] =	vst v63  }
0x4f: {  	_ =	swait.ge [sflag:s16], $0x3200  }
0x50: {  	[sflag:s16] =	ssyncset.done $0x0  }
0x51: {  	[sflag:s16] =	ssyncadd.s32 $0xFFFFCE00  }
0x52: {  	[spmem:s1] =	stream.indirect.scatter.add.f32 [tilespmem:s15], [sflag:$0x2], $0x20, s14, s17, $0xb8;
	[tilespmem:$0x1F140] =	vst v63  }
0x53: {  	_ =	swait.ge [sflag:s13], $0x3200  }
0x54: {  	s19 =	sadd.s32 $0x1, s19;
	[sflag:s13] =	ssyncset.done $0x0  }
0x55: {  	p0 =	sne.s32 s19, s9;
	[sflag:s13] =	ssyncadd.s32 $0xFFFFCE00  }
.Ltmp1:
0x56: {  	[bflag:$0x0] =	sbarrier.arrive $0xFFFF;
	(pc) =	sbr.rel @p0 .LBB2_1-.Ltmp1, $4  }
0x57: {  	[hbm:s18], [sflag:s5] =	dma.local [spmem:s12], $0x30E0  }
0x58: {  	_ =	swait.ge [sflag:s13], $0x30E0  }
0x59: {  	[sflag:s13] =	ssyncset.done $0x0  }
0x5a: {  	[sflag:s13] =	ssyncadd.s32 $0xFFFFCF20  }
0x5b: {  	_ =	sfence.sel $0x180000  }
0x5c: {  	[bflag:$0x0] =	sbarrier.arrive $0xFFFF  }
0x5d: {  	p0 =	sne.s32 s3, $0x0;
	_ =	strace $0x90000050  }
0x5e: {  	s0 =	sadd.s32 @!p0 $0x100000, s0;
	[bflag:$0x2] =	sbarrier.arrive $0xFFFF  }
0x5f: {  	[sflag:s0] =	ssyncadd.tile.s32 @!p0 $0x1;
	_ =	shalt  }
.Lfunc_end2:
_tile_overlayer_lowered:
.L_overlay_start_2:
0x60: {  	(tag) =	ssettag $0x2  }
0x61: {  	s0 =	rddreg [dreg:$0x0];
	s2 =	stileid.u32  }
0x62: {  	s1 =	rddreg [dreg:$0x1];
	p0 =	sne.s32 s2, $0x0  }
0x63: {  	s3 =	rddreg [dreg:$0x2];
	[bflag:$0x3] =	sbarrier.arrive $0xFFFF;
	s2 =	simm.s32 @!p0 $0x1C02  }
0x64: {  	[timem:s3], [sflag:s2] =	dma.local @!p0 [hbm:s0], s1  }
0x65: {  	s0 =	simm.s32 @!p0 $0x2  }
0x66: {  	_ =	swait.ge @!p0 [sflag:s0], s1  }
0x67: {  	s1 =	ssub.s32 @!p0 $0x0, s1;
	[sflag:s0] =	ssyncset.done @!p0 $0x0  }
0x68: {  	[sflag:s0] =	ssyncadd.s32 @!p0 s1  }
0x69: {  	[bflag:$0x3] =	sbarrier.arrive $0xFFFF  }
0x6a: {  	_ =	shalt  }

</sc_bundles>
